<compile_context>
chip_gen: v7x
topology: tpu7x:2x2x1
jax: 0.10.2.dev20260603
libtpu: 0.0.44.dev20260713+nightly
codegen_flags: <defaults>
</compile_context>

<pallas_src>
import jax
import jax.numpy as jnp
from jax import lax
from jax.experimental import pallas as pl
from jax.experimental.pallas import tpu as pltpu
from jax.experimental.pallas import tpu_sc as plsc

B = 16384
D = 32
V = 1000000
L = 16
NC = 2
NS = 16
NW = NC * NS
BPW = B // NW
CHUNK = 128
NCHUNK = BPW // CHUNK

BLK = 32768
GRID = (V + BLK - 1) // BLK


def _rowsum_body(ut_ref, it_ref, ru_ref, ri_ref):
    o = jnp.ones((8, D), jnp.float32)
    ru_ref[...] = jnp.dot(o, ut_ref[...],
                          preferred_element_type=jnp.float32)[0]
    ri_ref[...] = jnp.dot(o, it_ref[...],
                          preferred_element_type=jnp.float32)[0]


def _tc_rowsums(ut_t, it_t):
    return pl.pallas_call(
        _rowsum_body,
        grid=(GRID,),
        in_specs=[
            pl.BlockSpec((D, BLK), lambda i: (0, i)),
            pl.BlockSpec((D, BLK), lambda i: (0, i)),
        ],
        out_specs=[
            pl.BlockSpec((BLK,), lambda i: (i,)),
            pl.BlockSpec((BLK,), lambda i: (i,)),
        ],
        out_shape=[
            jax.ShapeDtypeStruct((V,), jnp.float32),
            jax.ShapeDtypeStruct((V,), jnp.float32),
        ],
    )(ut_t, it_t)


def _gather_body(ub_hbm, ib_hbm, ru_hbm, ri_hbm, out_hbm,
                 uidx, iidx, gu, gi, outv, sem):
    wid = lax.axis_index("s") * NC + lax.axis_index("c")
    base = wid * BPW

    for j in range(NCHUNK):
        pltpu.sync_copy(ub_hbm.at[pl.ds(base + j * CHUNK, CHUNK)], uidx.at[j])
        pltpu.sync_copy(ib_hbm.at[pl.ds(base + j * CHUNK, CHUNK)], iidx.at[j])

    copies = []
    for j in range(NCHUNK):
        copies.append(pltpu.async_copy(
            ru_hbm.at[uidx.at[j]], gu.at[j], sem))
        copies.append(pltpu.async_copy(
            ri_hbm.at[iidx.at[j]], gi.at[j], sem))
    for c in copies:
        c.wait()

    for j in range(NCHUNK):
        for k in range(CHUNK // L):
            cs = k * L
            s = gu[j, pl.ds(cs, L)] * gi[j, pl.ds(cs, L)]
            outv[pl.ds(j * CHUNK + cs, L)] = 1.0 / (1.0 + jnp.exp(-s))

    pltpu.sync_copy(outv, out_hbm.at[pl.ds(base, BPW)])


def _sc_gather(user_batch, item_batch, rs_u, rs_i):
    mesh = plsc.VectorSubcoreMesh(core_axis_name="c", subcore_axis_name="s")
    run = pl.kernel(
        _gather_body,
        out_type=jax.ShapeDtypeStruct((B,), jnp.float32),
        mesh=mesh,
        scratch_types=[
            pltpu.VMEM((NCHUNK, CHUNK), jnp.int32),
            pltpu.VMEM((NCHUNK, CHUNK), jnp.int32),
            pltpu.VMEM((NCHUNK, CHUNK), jnp.float32),
            pltpu.VMEM((NCHUNK, CHUNK), jnp.float32),
            pltpu.VMEM((BPW,), jnp.float32),
            pltpu.SemaphoreType.DMA,
        ],
        compiler_params=pltpu.CompilerParams(
            needs_layout_passes=False, use_tc_tiling_on_sc=False),
    )
    return run(user_batch, item_batch, rs_u, rs_i)


def kernel(user_batch, item_batch, user_table, item_table):
    rs_u, rs_i = _tc_rowsums(user_table.T, item_table.T)
    return _sc_gather(user_batch.astype(jnp.int32),
                      item_batch.astype(jnp.int32), rs_u, rs_i)

# --- scband reference (transcript-rebuilt; emitter-appended) ---
"""Pipeline reference for scband-mf-49984829391273 (READ-ONLY COPY).

The authoritative reference and input builder live on the scoring server;
editing this copy changes nothing except your own understanding.
"""

import jax, jax.numpy as jnp
import numpy as np

USER_SIZE = 1000000
ITEM_SIZE = 1000000
EMBED_SIZE = 32
BATCH = 16384

def setup_inputs(seed: int = 0) -> dict:
    key = jax.random.key(seed)
    k1, k2, k3, k4 = jax.random.split(key, 4)
    user_batch = jax.random.randint(k1, (BATCH,), 0, USER_SIZE, dtype=jnp.int64 if jax.config.jax_enable_x64 else jnp.int32)
    item_batch = jax.random.randint(k2, (BATCH,), 0, ITEM_SIZE, dtype=jnp.int64 if jax.config.jax_enable_x64 else jnp.int32)
    # he_uniform init: limit = sqrt(6 / fan_in); for embeddings fan_in = input_dim is huge,
    # but keras treats embedding fan_in as input_dim for he_uniform; use small uniform scale.
    limit_u = np.sqrt(6.0 / USER_SIZE)
    limit_i = np.sqrt(6.0 / ITEM_SIZE)
    user_table = jax.random.uniform(k3, (USER_SIZE, EMBED_SIZE), minval=-limit_u, maxval=limit_u, dtype=jnp.float32)
    item_table = jax.random.uniform(k4, (ITEM_SIZE, EMBED_SIZE), minval=-limit_i, maxval=limit_i, dtype=jnp.float32)
    return {
        "user_batch": user_batch,
        "item_batch": item_batch,
        "user_table": user_table,
        "item_table": item_table,
    }

def reference(user_batch, item_batch, user_table, item_table):
    # user_embeddings = self.user_embeddings(user_batch) -> gather rows
    user_embeddings = jnp.take(user_table, user_batch, axis=0)  # [B, D]
    item_embeddings = jnp.take(item_table, item_batch, axis=0)  # [B, D]
    # tf.squeeze is a no-op for [B, D]
    # Faithful to the original: einsum('bi,bj->b', u, v) = sum_i u[b,i] * sum_j v[b,j]
    scores = jnp.einsum('bi,bj->b', user_embeddings, item_embeddings)
    return jax.nn.sigmoid(scores)

if __name__ == "__main__":
    import jax
    _d = setup_inputs()
    print(jax.jit(kernel)(*tuple(_d.values())))

</pallas_src>

<mosaic_0001>
#map = affine_map<(d0, d1) -> (0)>
module attributes {stable_mosaic.version = 14 : i64} {
  func.func @_gather_body(%arg0: i32, %arg1: i32, %arg2: memref<16384xi32, #tpu.memory_space<hbm>>, %arg3: memref<16384xi32, #tpu.memory_space<hbm>>, %arg4: memref<1000000xf32, #tpu.memory_space<hbm>>, %arg5: memref<1000000xf32, #tpu.memory_space<hbm>>, %arg6: memref<16384xf32, #tpu.memory_space<hbm>>, %arg7: memref<4x128xi32, #tpu.memory_space<vmem>>, %arg8: memref<4x128xi32, #tpu.memory_space<vmem>>, %arg9: memref<4x128xf32, #tpu.memory_space<vmem>>, %arg10: memref<4x128xf32, #tpu.memory_space<vmem>>, %arg11: memref<512xf32, #tpu.memory_space<vmem>>, %arg12: memref<!tpu.dma_semaphore, #tpu.memory_space<semaphore_mem>>) attributes {dimension_semantics = [#tpu.dimension_semantics<core_parallel>, #tpu.dimension_semantics<subcore_parallel>], iteration_bounds = array<i64: 2, 16>, scalar_prefetch = 0 : i64, scratch_operands = 6 : i64, tpu.core_type = #tpu.core_type<sc_vector_subcore>, window_params = [{transform_indices = #map}, {transform_indices = #map}, {transform_indices = #map}, {transform_indices = #map}, {transform_indices = #map}]} {
    %mul3A = arith.constant 2 : i32
    %mul3A_0 = arith.muli %arg1, %mul3A : i32
    %add3A = arith.addi %mul3A_0, %arg0 : i32
    %mul3A_1 = arith.constant 512 : i32
    %mul3A_2 = arith.muli %add3A, %mul3A_1 : i32
    %add3A_3 = arith.constant 0 : i32
    %add3A_4 = arith.addi %mul3A_2, %add3A_3 : i32
    %run_scoped3A = arith.constant 0 : i32
    "tpu.region"() ({
      %run_scoped3A_851 = tpu.sem_alloc : memref<!tpu.dma_semaphore, #tpu.memory_space<semaphore_mem>>
      %dma_start3A_852 = arith.constant 0 : i32
      %dma_start3A_853 = tpu.memref_slice %arg7[%run_scoped3A, %dma_start3A_852] : memref<4x128xi32, #tpu.memory_space<vmem>> -> memref<1x128xi32, #tpu.memory_space<vmem>>
      %dma_start3A_854 = tpu.memref_squeeze %dma_start3A_853 : memref<1x128xi32, #tpu.memory_space<vmem>> -> memref<128xi32, #tpu.memory_space<vmem>>
      %dma_start3A_855 = tpu.memref_slice %arg2[%add3A_4] : memref<16384xi32, #tpu.memory_space<hbm>> -> memref<128xi32, #tpu.memory_space<hbm>>
      %dma_start3A_856 = arith.constant 0 : i32
      %dma_start3A_857 = tpu.memref_slice %arg7[%run_scoped3A, %dma_start3A_856] : memref<4x128xi32, #tpu.memory_space<vmem>> -> memref<1x128xi32, #tpu.memory_space<vmem>>
      %dma_start3A_858 = tpu.memref_squeeze %dma_start3A_857 : memref<1x128xi32, #tpu.memory_space<vmem>> -> memref<128xi32, #tpu.memory_space<vmem>>
      %dma_start3A_859 = tpu.memref_slice %arg2[%add3A_4] : memref<16384xi32, #tpu.memory_space<hbm>> -> memref<128xi32, #tpu.memory_space<hbm>>
      tpu.enqueue_dma source(%dma_start3A_859 : memref<128xi32, #tpu.memory_space<hbm>>) target(%dma_start3A_858 : memref<128xi32, #tpu.memory_space<vmem>>) target_semaphore(%run_scoped3A_851 : memref<!tpu.dma_semaphore, #tpu.memory_space<semaphore_mem>>)
      %dma_wait3A_860 = arith.constant 0 : i32
      %dma_wait3A_861 = tpu.memref_slice %arg7[%run_scoped3A, %dma_wait3A_860] : memref<4x128xi32, #tpu.memory_space<vmem>> -> memref<1x128xi32, #tpu.memory_space<vmem>>
      %dma_wait3A_862 = tpu.memref_squeeze %dma_wait3A_861 : memref<1x128xi32, #tpu.memory_space<vmem>> -> memref<128xi32, #tpu.memory_space<vmem>>
      %dma_wait3A_863 = tpu.memref_slice %arg2[%add3A_4] : memref<16384xi32, #tpu.memory_space<hbm>> -> memref<128xi32, #tpu.memory_space<hbm>>
      %dma_wait3A_864 = arith.constant 0 : i32
      %dma_wait3A_865 = tpu.memref_slice %arg7[%run_scoped3A, %dma_wait3A_864] : memref<4x128xi32, #tpu.memory_space<vmem>> -> memref<1x128xi32, #tpu.memory_space<vmem>>
      %dma_wait3A_866 = tpu.memref_squeeze %dma_wait3A_865 : memref<1x128xi32, #tpu.memory_space<vmem>> -> memref<128xi32, #tpu.memory_space<vmem>>
      %dma_wait3A_867 = tpu.memref_slice %arg2[%add3A_4] : memref<16384xi32, #tpu.memory_space<hbm>> -> memref<128xi32, #tpu.memory_space<hbm>>
      tpu.wait_dma2 semaphore(%run_scoped3A_851 : memref<!tpu.dma_semaphore, #tpu.memory_space<semaphore_mem>>) src(%dma_wait3A_867 : memref<128xi32, #tpu.memory_space<hbm>>) dst(%dma_wait3A_866 : memref<128xi32, #tpu.memory_space<vmem>>)
      tpu.yield
    }) : () -> ()
    %add3A_5 = arith.constant 0 : i32
    %add3A_6 = arith.addi %mul3A_2, %add3A_5 : i32
    %run_scoped3A_7 = arith.constant 0 : i32
    "tpu.region"() ({
      %run_scoped3A_851 = tpu.sem_alloc : memref<!tpu.dma_semaphore, #tpu.memory_space<semaphore_mem>>
      %dma_start3A_852 = arith.constant 0 : i32
      %dma_start3A_853 = tpu.memref_slice %arg8[%run_scoped3A_7, %dma_start3A_852] : memref<4x128xi32, #tpu.memory_space<vmem>> -> memref<1x128xi32, #tpu.memory_space<vmem>>
      %dma_start3A_854 = tpu.memref_squeeze %dma_start3A_853 : memref<1x128xi32, #tpu.memory_space<vmem>> -> memref<128xi32, #tpu.memory_space<vmem>>
      %dma_start3A_855 = tpu.memref_slice %arg3[%add3A_6] : memref<16384xi32, #tpu.memory_space<hbm>> -> memref<128xi32, #tpu.memory_space<hbm>>
      %dma_start3A_856 = arith.constant 0 : i32
      %dma_start3A_857 = tpu.memref_slice %arg8[%run_scoped3A_7, %dma_start3A_856] : memref<4x128xi32, #tpu.memory_space<vmem>> -> memref<1x128xi32, #tpu.memory_space<vmem>>
      %dma_start3A_858 = tpu.memref_squeeze %dma_start3A_857 : memref<1x128xi32, #tpu.memory_space<vmem>> -> memref<128xi32, #tpu.memory_space<vmem>>
      %dma_start3A_859 = tpu.memref_slice %arg3[%add3A_6] : memref<16384xi32, #tpu.memory_space<hbm>> -> memref<128xi32, #tpu.memory_space<hbm>>
      tpu.enqueue_dma source(%dma_start3A_859 : memref<128xi32, #tpu.memory_space<hbm>>) target(%dma_start3A_858 : memref<128xi32, #tpu.memory_space<vmem>>) target_semaphore(%run_scoped3A_851 : memref<!tpu.dma_semaphore, #tpu.memory_space<semaphore_mem>>)
      %dma_wait3A_860 = arith.constant 0 : i32
      %dma_wait3A_861 = tpu.memref_slice %arg8[%run_scoped3A_7, %dma_wait3A_860] : memref<4x128xi32, #tpu.memory_space<vmem>> -> memref<1x128xi32, #tpu.memory_space<vmem>>
      %dma_wait3A_862 = tpu.memref_squeeze %dma_wait3A_861 : memref<1x128xi32, #tpu.memory_space<vmem>> -> memref<128xi32, #tpu.memory_space<vmem>>
      %dma_wait3A_863 = tpu.memref_slice %arg3[%add3A_6] : memref<16384xi32, #tpu.memory_space<hbm>> -> memref<128xi32, #tpu.memory_space<hbm>>
      %dma_wait3A_864 = arith.constant 0 : i32
      %dma_wait3A_865 = tpu.memref_slice %arg8[%run_scoped3A_7, %dma_wait3A_864] : memref<4x128xi32, #tpu.memory_space<vmem>> -> memref<1x128xi32, #tpu.memory_space<vmem>>
      %dma_wait3A_866 = tpu.memref_squeeze %dma_wait3A_865 : memref<1x128xi32, #tpu.memory_space<vmem>> -> memref<128xi32, #tpu.memory_space<vmem>>
      %dma_wait3A_867 = tpu.memref_slice %arg3[%add3A_6] : memref<16384xi32, #tpu.memory_space<hbm>> -> memref<128xi32, #tpu.memory_space<hbm>>
      tpu.wait_dma2 semaphore(%run_scoped3A_851 : memref<!tpu.dma_semaphore, #tpu.memory_space<semaphore_mem>>) src(%dma_wait3A_867 : memref<128xi32, #tpu.memory_space<hbm>>) dst(%dma_wait3A_866 : memref<128xi32, #tpu.memory_space<vmem>>)
      tpu.yield
    }) : () -> ()
    %add3A_8 = arith.constant 128 : i32
    %add3A_9 = arith.addi %mul3A_2, %add3A_8 : i32
    %run_scoped3A_10 = arith.constant 1 : i32
    "tpu.region"() ({
      %run_scoped3A_851 = tpu.sem_alloc : memref<!tpu.dma_semaphore, #tpu.memory_space<semaphore_mem>>
      %dma_start3A_852 = arith.constant 0 : i32
      %dma_start3A_853 = tpu.memref_slice %arg7[%run_scoped3A_10, %dma_start3A_852] : memref<4x128xi32, #tpu.memory_space<vmem>> -> memref<1x128xi32, #tpu.memory_space<vmem>>
      %dma_start3A_854 = tpu.memref_squeeze %dma_start3A_853 : memref<1x128xi32, #tpu.memory_space<vmem>> -> memref<128xi32, #tpu.memory_space<vmem>>
      %dma_start3A_855 = tpu.memref_slice %arg2[%add3A_9] : memref<16384xi32, #tpu.memory_space<hbm>> -> memref<128xi32, #tpu.memory_space<hbm>>
      %dma_start3A_856 = arith.constant 0 : i32
      %dma_start3A_857 = tpu.memref_slice %arg7[%run_scoped3A_10, %dma_start3A_856] : memref<4x128xi32, #tpu.memory_space<vmem>> -> memref<1x128xi32, #tpu.memory_space<vmem>>
      %dma_start3A_858 = tpu.memref_squeeze %dma_start3A_857 : memref<1x128xi32, #tpu.memory_space<vmem>> -> memref<128xi32, #tpu.memory_space<vmem>>
      %dma_start3A_859 = tpu.memref_slice %arg2[%add3A_9] : memref<16384xi32, #tpu.memory_space<hbm>> -> memref<128xi32, #tpu.memory_space<hbm>>
      tpu.enqueue_dma source(%dma_start3A_859 : memref<128xi32, #tpu.memory_space<hbm>>) target(%dma_start3A_858 : memref<128xi32, #tpu.memory_space<vmem>>) target_semaphore(%run_scoped3A_851 : memref<!tpu.dma_semaphore, #tpu.memory_space<semaphore_mem>>)
      %dma_wait3A_860 = arith.constant 0 : i32
      %dma_wait3A_861 = tpu.memref_slice %arg7[%run_scoped3A_10, %dma_wait3A_860] : memref<4x128xi32, #tpu.memory_space<vmem>> -> memref<1x128xi32, #tpu.memory_space<vmem>>
      %dma_wait3A_862 = tpu.memref_squeeze %dma_wait3A_861 : memref<1x128xi32, #tpu.memory_space<vmem>> -> memref<128xi32, #tpu.memory_space<vmem>>
      %dma_wait3A_863 = tpu.memref_slice %arg2[%add3A_9] : memref<16384xi32, #tpu.memory_space<hbm>> -> memref<128xi32, #tpu.memory_space<hbm>>
      %dma_wait3A_864 = arith.constant 0 : i32
      %dma_wait3A_865 = tpu.memref_slice %arg7[%run_scoped3A_10, %dma_wait3A_864] : memref<4x128xi32, #tpu.memory_space<vmem>> -> memref<1x128xi32, #tpu.memory_space<vmem>>
      %dma_wait3A_866 = tpu.memref_squeeze %dma_wait3A_865 : memref<1x128xi32, #tpu.memory_space<vmem>> -> memref<128xi32, #tpu.memory_space<vmem>>
      %dma_wait3A_867 = tpu.memref_slice %arg2[%add3A_9] : memref<16384xi32, #tpu.memory_space<hbm>> -> memref<128xi32, #tpu.memory_space<hbm>>
      tpu.wait_dma2 semaphore(%run_scoped3A_851 : memref<!tpu.dma_semaphore, #tpu.memory_space<semaphore_mem>>) src(%dma_wait3A_867 : memref<128xi32, #tpu.memory_space<hbm>>) dst(%dma_wait3A_866 : memref<128xi32, #tpu.memory_space<vmem>>)
      tpu.yield
    }) : () -> ()
    %add3A_11 = arith.constant 128 : i32
    %add3A_12 = arith.addi %mul3A_2, %add3A_11 : i32
    %run_scoped3A_13 = arith.constant 1 : i32
    "tpu.region"() ({
      %run_scoped3A_851 = tpu.sem_alloc : memref<!tpu.dma_semaphore, #tpu.memory_space<semaphore_mem>>
      %dma_start3A_852 = arith.constant 0 : i32
      %dma_start3A_853 = tpu.memref_slice %arg8[%run_scoped3A_13, %dma_start3A_852] : memref<4x128xi32, #tpu.memory_space<vmem>> -> memref<1x128xi32, #tpu.memory_space<vmem>>
      %dma_start3A_854 = tpu.memref_squeeze %dma_start3A_853 : memref<1x128xi32, #tpu.memory_space<vmem>> -> memref<128xi32, #tpu.memory_space<vmem>>
      %dma_start3A_855 = tpu.memref_slice %arg3[%add3A_12] : memref<16384xi32, #tpu.memory_space<hbm>> -> memref<128xi32, #tpu.memory_space<hbm>>
      %dma_start3A_856 = arith.constant 0 : i32
      %dma_start3A_857 = tpu.memref_slice %arg8[%run_scoped3A_13, %dma_start3A_856] : memref<4x128xi32, #tpu.memory_space<vmem>> -> memref<1x128xi32, #tpu.memory_space<vmem>>
      %dma_start3A_858 = tpu.memref_squeeze %dma_start3A_857 : memref<1x128xi32, #tpu.memory_space<vmem>> -> memref<128xi32, #tpu.memory_space<vmem>>
      %dma_start3A_859 = tpu.memref_slice %arg3[%add3A_12] : memref<16384xi32, #tpu.memory_space<hbm>> -> memref<128xi32, #tpu.memory_space<hbm>>
      tpu.enqueue_dma source(%dma_start3A_859 : memref<128xi32, #tpu.memory_space<hbm>>) target(%dma_start3A_858 : memref<128xi32, #tpu.memory_space<vmem>>) target_semaphore(%run_scoped3A_851 : memref<!tpu.dma_semaphore, #tpu.memory_space<semaphore_mem>>)
      %dma_wait3A_860 = arith.constant 0 : i32
      %dma_wait3A_861 = tpu.memref_slice %arg8[%run_scoped3A_13, %dma_wait3A_860] : memref<4x128xi32, #tpu.memory_space<vmem>> -> memref<1x128xi32, #tpu.memory_space<vmem>>
      %dma_wait3A_862 = tpu.memref_squeeze %dma_wait3A_861 : memref<1x128xi32, #tpu.memory_space<vmem>> -> memref<128xi32, #tpu.memory_space<vmem>>
      %dma_wait3A_863 = tpu.memref_slice %arg3[%add3A_12] : memref<16384xi32, #tpu.memory_space<hbm>> -> memref<128xi32, #tpu.memory_space<hbm>>
      %dma_wait3A_864 = arith.constant 0 : i32
      %dma_wait3A_865 = tpu.memref_slice %arg8[%run_scoped3A_13, %dma_wait3A_864] : memref<4x128xi32, #tpu.memory_space<vmem>> -> memref<1x128xi32, #tpu.memory_space<vmem>>
      %dma_wait3A_866 = tpu.memref_squeeze %dma_wait3A_865 : memref<1x128xi32, #tpu.memory_space<vmem>> -> memref<128xi32, #tpu.memory_space<vmem>>
      %dma_wait3A_867 = tpu.memref_slice %arg3[%add3A_12] : memref<16384xi32, #tpu.memory_space<hbm>> -> memref<128xi32, #tpu.memory_space<hbm>>
      tpu.wait_dma2 semaphore(%run_scoped3A_851 : memref<!tpu.dma_semaphore, #tpu.memory_space<semaphore_mem>>) src(%dma_wait3A_867 : memref<128xi32, #tpu.memory_space<hbm>>) dst(%dma_wait3A_866 : memref<128xi32, #tpu.memory_space<vmem>>)
      tpu.yield
    }) : () -> ()
    %add3A_14 = arith.constant 256 : i32
    %add3A_15 = arith.addi %mul3A_2, %add3A_14 : i32
    %run_scoped3A_16 = arith.constant 2 : i32
    "tpu.region"() ({
      %run_scoped3A_851 = tpu.sem_alloc : memref<!tpu.dma_semaphore, #tpu.memory_space<semaphore_mem>>
      %dma_start3A_852 = arith.constant 0 : i32
      %dma_start3A_853 = tpu.memref_slice %arg7[%run_scoped3A_16, %dma_start3A_852] : memref<4x128xi32, #tpu.memory_space<vmem>> -> memref<1x128xi32, #tpu.memory_space<vmem>>
      %dma_start3A_854 = tpu.memref_squeeze %dma_start3A_853 : memref<1x128xi32, #tpu.memory_space<vmem>> -> memref<128xi32, #tpu.memory_space<vmem>>
      %dma_start3A_855 = tpu.memref_slice %arg2[%add3A_15] : memref<16384xi32, #tpu.memory_space<hbm>> -> memref<128xi32, #tpu.memory_space<hbm>>
      %dma_start3A_856 = arith.constant 0 : i32
      %dma_start3A_857 = tpu.memref_slice %arg7[%run_scoped3A_16, %dma_start3A_856] : memref<4x128xi32, #tpu.memory_space<vmem>> -> memref<1x128xi32, #tpu.memory_space<vmem>>
      %dma_start3A_858 = tpu.memref_squeeze %dma_start3A_857 : memref<1x128xi32, #tpu.memory_space<vmem>> -> memref<128xi32, #tpu.memory_space<vmem>>
      %dma_start3A_859 = tpu.memref_slice %arg2[%add3A_15] : memref<16384xi32, #tpu.memory_space<hbm>> -> memref<128xi32, #tpu.memory_space<hbm>>
      tpu.enqueue_dma source(%dma_start3A_859 : memref<128xi32, #tpu.memory_space<hbm>>) target(%dma_start3A_858 : memref<128xi32, #tpu.memory_space<vmem>>) target_semaphore(%run_scoped3A_851 : memref<!tpu.dma_semaphore, #tpu.memory_space<semaphore_mem>>)
      %dma_wait3A_860 = arith.constant 0 : i32
      %dma_wait3A_861 = tpu.memref_slice %arg7[%run_scoped3A_16, %dma_wait3A_860] : memref<4x128xi32, #tpu.memory_space<vmem>> -> memref<1x128xi32, #tpu.memory_space<vmem>>
      %dma_wait3A_862 = tpu.memref_squeeze %dma_wait3A_861 : memref<1x128xi32, #tpu.memory_space<vmem>> -> memref<128xi32, #tpu.memory_space<vmem>>
      %dma_wait3A_863 = tpu.memref_slice %arg2[%add3A_15] : memref<16384xi32, #tpu.memory_space<hbm>> -> memref<128xi32, #tpu.memory_space<hbm>>
      %dma_wait3A_864 = arith.constant 0 : i32
      %dma_wait3A_865 = tpu.memref_slice %arg7[%run_scoped3A_16, %dma_wait3A_864] : memref<4x128xi32, #tpu.memory_space<vmem>> -> memref<1x128xi32, #tpu.memory_space<vmem>>
      %dma_wait3A_866 = tpu.memref_squeeze %dma_wait3A_865 : memref<1x128xi32, #tpu.memory_space<vmem>> -> memref<128xi32, #tpu.memory_space<vmem>>
      %dma_wait3A_867 = tpu.memref_slice %arg2[%add3A_15] : memref<16384xi32, #tpu.memory_space<hbm>> -> memref<128xi32, #tpu.memory_space<hbm>>
      tpu.wait_dma2 semaphore(%run_scoped3A_851 : memref<!tpu.dma_semaphore, #tpu.memory_space<semaphore_mem>>) src(%dma_wait3A_867 : memref<128xi32, #tpu.memory_space<hbm>>) dst(%dma_wait3A_866 : memref<128xi32, #tpu.memory_space<vmem>>)
      tpu.yield
    }) : () -> ()
    %add3A_17 = arith.constant 256 : i32
    %add3A_18 = arith.addi %mul3A_2, %add3A_17 : i32
    %run_scoped3A_19 = arith.constant 2 : i32
    "tpu.region"() ({
      %run_scoped3A_851 = tpu.sem_alloc : memref<!tpu.dma_semaphore, #tpu.memory_space<semaphore_mem>>
      %dma_start3A_852 = arith.constant 0 : i32
      %dma_start3A_853 = tpu.memref_slice %arg8[%run_scoped3A_19, %dma_start3A_852] : memref<4x128xi32, #tpu.memory_space<vmem>> -> memref<1x128xi32, #tpu.memory_space<vmem>>
      %dma_start3A_854 = tpu.memref_squeeze %dma_start3A_853 : memref<1x128xi32, #tpu.memory_space<vmem>> -> memref<128xi32, #tpu.memory_space<vmem>>
      %dma_start3A_855 = tpu.memref_slice %arg3[%add3A_18] : memref<16384xi32, #tpu.memory_space<hbm>> -> memref<128xi32, #tpu.memory_space<hbm>>
      %dma_start3A_856 = arith.constant 0 : i32
      %dma_start3A_857 = tpu.memref_slice %arg8[%run_scoped3A_19, %dma_start3A_856] : memref<4x128xi32, #tpu.memory_space<vmem>> -> memref<1x128xi32, #tpu.memory_space<vmem>>
      %dma_start3A_858 = tpu.memref_squeeze %dma_start3A_857 : memref<1x128xi32, #tpu.memory_space<vmem>> -> memref<128xi32, #tpu.memory_space<vmem>>
      %dma_start3A_859 = tpu.memref_slice %arg3[%add3A_18] : memref<16384xi32, #tpu.memory_space<hbm>> -> memref<128xi32, #tpu.memory_space<hbm>>
      tpu.enqueue_dma source(%dma_start3A_859 : memref<128xi32, #tpu.memory_space<hbm>>) target(%dma_start3A_858 : memref<128xi32, #tpu.memory_space<vmem>>) target_semaphore(%run_scoped3A_851 : memref<!tpu.dma_semaphore, #tpu.memory_space<semaphore_mem>>)
      %dma_wait3A_860 = arith.constant 0 : i32
      %dma_wait3A_861 = tpu.memref_slice %arg8[%run_scoped3A_19, %dma_wait3A_860] : memref<4x128xi32, #tpu.memory_space<vmem>> -> memref<1x128xi32, #tpu.memory_space<vmem>>
      %dma_wait3A_862 = tpu.memref_squeeze %dma_wait3A_861 : memref<1x128xi32, #tpu.memory_space<vmem>> -> memref<128xi32, #tpu.memory_space<vmem>>
      %dma_wait3A_863 = tpu.memref_slice %arg3[%add3A_18] : memref<16384xi32, #tpu.memory_space<hbm>> -> memref<128xi32, #tpu.memory_space<hbm>>
      %dma_wait3A_864 = arith.constant 0 : i32
      %dma_wait3A_865 = tpu.memref_slice %arg8[%run_scoped3A_19, %dma_wait3A_864] : memref<4x128xi32, #tpu.memory_space<vmem>> -> memref<1x128xi32, #tpu.memory_space<vmem>>
      %dma_wait3A_866 = tpu.memref_squeeze %dma_wait3A_865 : memref<1x128xi32, #tpu.memory_space<vmem>> -> memref<128xi32, #tpu.memory_space<vmem>>
      %dma_wait3A_867 = tpu.memref_slice %arg3[%add3A_18] : memref<16384xi32, #tpu.memory_space<hbm>> -> memref<128xi32, #tpu.memory_space<hbm>>
      tpu.wait_dma2 semaphore(%run_scoped3A_851 : memref<!tpu.dma_semaphore, #tpu.memory_space<semaphore_mem>>) src(%dma_wait3A_867 : memref<128xi32, #tpu.memory_space<hbm>>) dst(%dma_wait3A_866 : memref<128xi32, #tpu.memory_space<vmem>>)
      tpu.yield
    }) : () -> ()
    %add3A_20 = arith.constant 384 : i32
    %add3A_21 = arith.addi %mul3A_2, %add3A_20 : i32
    %run_scoped3A_22 = arith.constant 3 : i32
    "tpu.region"() ({
      %run_scoped3A_851 = tpu.sem_alloc : memref<!tpu.dma_semaphore, #tpu.memory_space<semaphore_mem>>
      %dma_start3A_852 = arith.constant 0 : i32
      %dma_start3A_853 = tpu.memref_slice %arg7[%run_scoped3A_22, %dma_start3A_852] : memref<4x128xi32, #tpu.memory_space<vmem>> -> memref<1x128xi32, #tpu.memory_space<vmem>>
      %dma_start3A_854 = tpu.memref_squeeze %dma_start3A_853 : memref<1x128xi32, #tpu.memory_space<vmem>> -> memref<128xi32, #tpu.memory_space<vmem>>
      %dma_start3A_855 = tpu.memref_slice %arg2[%add3A_21] : memref<16384xi32, #tpu.memory_space<hbm>> -> memref<128xi32, #tpu.memory_space<hbm>>
      %dma_start3A_856 = arith.constant 0 : i32
      %dma_start3A_857 = tpu.memref_slice %arg7[%run_scoped3A_22, %dma_start3A_856] : memref<4x128xi32, #tpu.memory_space<vmem>> -> memref<1x128xi32, #tpu.memory_space<vmem>>
      %dma_start3A_858 = tpu.memref_squeeze %dma_start3A_857 : memref<1x128xi32, #tpu.memory_space<vmem>> -> memref<128xi32, #tpu.memory_space<vmem>>
      %dma_start3A_859 = tpu.memref_slice %arg2[%add3A_21] : memref<16384xi32, #tpu.memory_space<hbm>> -> memref<128xi32, #tpu.memory_space<hbm>>
      tpu.enqueue_dma source(%dma_start3A_859 : memref<128xi32, #tpu.memory_space<hbm>>) target(%dma_start3A_858 : memref<128xi32, #tpu.memory_space<vmem>>) target_semaphore(%run_scoped3A_851 : memref<!tpu.dma_semaphore, #tpu.memory_space<semaphore_mem>>)
      %dma_wait3A_860 = arith.constant 0 : i32
      %dma_wait3A_861 = tpu.memref_slice %arg7[%run_scoped3A_22, %dma_wait3A_860] : memref<4x128xi32, #tpu.memory_space<vmem>> -> memref<1x128xi32, #tpu.memory_space<vmem>>
      %dma_wait3A_862 = tpu.memref_squeeze %dma_wait3A_861 : memref<1x128xi32, #tpu.memory_space<vmem>> -> memref<128xi32, #tpu.memory_space<vmem>>
      %dma_wait3A_863 = tpu.memref_slice %arg2[%add3A_21] : memref<16384xi32, #tpu.memory_space<hbm>> -> memref<128xi32, #tpu.memory_space<hbm>>
      %dma_wait3A_864 = arith.constant 0 : i32
      %dma_wait3A_865 = tpu.memref_slice %arg7[%run_scoped3A_22, %dma_wait3A_864] : memref<4x128xi32, #tpu.memory_space<vmem>> -> memref<1x128xi32, #tpu.memory_space<vmem>>
      %dma_wait3A_866 = tpu.memref_squeeze %dma_wait3A_865 : memref<1x128xi32, #tpu.memory_space<vmem>> -> memref<128xi32, #tpu.memory_space<vmem>>
      %dma_wait3A_867 = tpu.memref_slice %arg2[%add3A_21] : memref<16384xi32, #tpu.memory_space<hbm>> -> memref<128xi32, #tpu.memory_space<hbm>>
      tpu.wait_dma2 semaphore(%run_scoped3A_851 : memref<!tpu.dma_semaphore, #tpu.memory_space<semaphore_mem>>) src(%dma_wait3A_867 : memref<128xi32, #tpu.memory_space<hbm>>) dst(%dma_wait3A_866 : memref<128xi32, #tpu.memory_space<vmem>>)
      tpu.yield
    }) : () -> ()
    %add3A_23 = arith.constant 384 : i32
    %add3A_24 = arith.addi %mul3A_2, %add3A_23 : i32
    %run_scoped3A_25 = arith.constant 3 : i32
    "tpu.region"() ({
      %run_scoped3A_851 = tpu.sem_alloc : memref<!tpu.dma_semaphore, #tpu.memory_space<semaphore_mem>>
      %dma_start3A_852 = arith.constant 0 : i32
      %dma_start3A_853 = tpu.memref_slice %arg8[%run_scoped3A_25, %dma_start3A_852] : memref<4x128xi32, #tpu.memory_space<vmem>> -> memref<1x128xi32, #tpu.memory_space<vmem>>
      %dma_start3A_854 = tpu.memref_squeeze %dma_start3A_853 : memref<1x128xi32, #tpu.memory_space<vmem>> -> memref<128xi32, #tpu.memory_space<vmem>>
      %dma_start3A_855 = tpu.memref_slice %arg3[%add3A_24] : memref<16384xi32, #tpu.memory_space<hbm>> -> memref<128xi32, #tpu.memory_space<hbm>>
      %dma_start3A_856 = arith.constant 0 : i32
      %dma_start3A_857 = tpu.memref_slice %arg8[%run_scoped3A_25, %dma_start3A_856] : memref<4x128xi32, #tpu.memory_space<vmem>> -> memref<1x128xi32, #tpu.memory_space<vmem>>
      %dma_start3A_858 = tpu.memref_squeeze %dma_start3A_857 : memref<1x128xi32, #tpu.memory_space<vmem>> -> memref<128xi32, #tpu.memory_space<vmem>>
      %dma_start3A_859 = tpu.memref_slice %arg3[%add3A_24] : memref<16384xi32, #tpu.memory_space<hbm>> -> memref<128xi32, #tpu.memory_space<hbm>>
      tpu.enqueue_dma source(%dma_start3A_859 : memref<128xi32, #tpu.memory_space<hbm>>) target(%dma_start3A_858 : memref<128xi32, #tpu.memory_space<vmem>>) target_semaphore(%run_scoped3A_851 : memref<!tpu.dma_semaphore, #tpu.memory_space<semaphore_mem>>)
      %dma_wait3A_860 = arith.constant 0 : i32
      %dma_wait3A_861 = tpu.memref_slice %arg8[%run_scoped3A_25, %dma_wait3A_860] : memref<4x128xi32, #tpu.memory_space<vmem>> -> memref<1x128xi32, #tpu.memory_space<vmem>>
      %dma_wait3A_862 = tpu.memref_squeeze %dma_wait3A_861 : memref<1x128xi32, #tpu.memory_space<vmem>> -> memref<128xi32, #tpu.memory_space<vmem>>
      %dma_wait3A_863 = tpu.memref_slice %arg3[%add3A_24] : memref<16384xi32, #tpu.memory_space<hbm>> -> memref<128xi32, #tpu.memory_space<hbm>>
      %dma_wait3A_864 = arith.constant 0 : i32
      %dma_wait3A_865 = tpu.memref_slice %arg8[%run_scoped3A_25, %dma_wait3A_864] : memref<4x128xi32, #tpu.memory_space<vmem>> -> memref<1x128xi32, #tpu.memory_space<vmem>>
      %dma_wait3A_866 = tpu.memref_squeeze %dma_wait3A_865 : memref<1x128xi32, #tpu.memory_space<vmem>> -> memref<128xi32, #tpu.memory_space<vmem>>
      %dma_wait3A_867 = tpu.memref_slice %arg3[%add3A_24] : memref<16384xi32, #tpu.memory_space<hbm>> -> memref<128xi32, #tpu.memory_space<hbm>>
      tpu.wait_dma2 semaphore(%run_scoped3A_851 : memref<!tpu.dma_semaphore, #tpu.memory_space<semaphore_mem>>) src(%dma_wait3A_867 : memref<128xi32, #tpu.memory_space<hbm>>) dst(%dma_wait3A_866 : memref<128xi32, #tpu.memory_space<vmem>>)
      tpu.yield
    }) : () -> ()
    %dma_start3A = arith.constant 0 : i32
    %dma_start3A_26 = arith.constant 0 : i32
    %dma_start3A_27 = arith.constant 0 : i32
    %dma_start3A_28 = tpu.memref_slice %arg9[%dma_start3A_26, %dma_start3A_27] : memref<4x128xf32, #tpu.memory_space<vmem>> -> memref<1x128xf32, #tpu.memory_space<vmem>>
    %dma_start3A_29 = tpu.memref_squeeze %dma_start3A_28 : memref<1x128xf32, #tpu.memory_space<vmem>> -> memref<128xf32, #tpu.memory_space<vmem>>
    %dma_start3A_30 = arith.constant 0 : i32
    %dma_start3A_31 = tpu.memref_slice %arg7[%dma_start3A, %dma_start3A_30] : memref<4x128xi32, #tpu.memory_space<vmem>> -> memref<1x128xi32, #tpu.memory_space<vmem>>
    %dma_start3A_32 = tpu.memref_squeeze %dma_start3A_31 : memref<1x128xi32, #tpu.memory_space<vmem>> -> memref<128xi32, #tpu.memory_space<vmem>>
    %dma_start3A_33 = arith.constant 0 : i32
    %dma_start3A_34 = tpu.memref_slice %arg4[%dma_start3A_33] : memref<1000000xf32, #tpu.memory_space<hbm>> -> memref<1000000xf32, #tpu.memory_space<hbm>>
    tpu.enqueue_indirect_dma source(%dma_start3A_34 : memref<1000000xf32, #tpu.memory_space<hbm>>) target(%dma_start3A_29 : memref<128xf32, #tpu.memory_space<vmem>>) offsets(%dma_start3A_32 : memref<128xi32, #tpu.memory_space<vmem>>) semaphore(%arg12 : memref<!tpu.dma_semaphore, #tpu.memory_space<semaphore_mem>>)
    %dma_start3A_35 = arith.constant 0 : i32
    %dma_start3A_36 = arith.constant 0 : i32
    %dma_start3A_37 = arith.constant 0 : i32
    %dma_start3A_38 = tpu.memref_slice %arg10[%dma_start3A_36, %dma_start3A_37] : memref<4x128xf32, #tpu.memory_space<vmem>> -> memref<1x128xf32, #tpu.memory_space<vmem>>
    %dma_start3A_39 = tpu.memref_squeeze %dma_start3A_38 : memref<1x128xf32, #tpu.memory_space<vmem>> -> memref<128xf32, #tpu.memory_space<vmem>>
    %dma_start3A_40 = arith.constant 0 : i32
    %dma_start3A_41 = tpu.memref_slice %arg8[%dma_start3A_35, %dma_start3A_40] : memref<4x128xi32, #tpu.memory_space<vmem>> -> memref<1x128xi32, #tpu.memory_space<vmem>>
    %dma_start3A_42 = tpu.memref_squeeze %dma_start3A_41 : memref<1x128xi32, #tpu.memory_space<vmem>> -> memref<128xi32, #tpu.memory_space<vmem>>
    %dma_start3A_43 = arith.constant 0 : i32
    %dma_start3A_44 = tpu.memref_slice %arg5[%dma_start3A_43] : memref<1000000xf32, #tpu.memory_space<hbm>> -> memref<1000000xf32, #tpu.memory_space<hbm>>
    tpu.enqueue_indirect_dma source(%dma_start3A_44 : memref<1000000xf32, #tpu.memory_space<hbm>>) target(%dma_start3A_39 : memref<128xf32, #tpu.memory_space<vmem>>) offsets(%dma_start3A_42 : memref<128xi32, #tpu.memory_space<vmem>>) semaphore(%arg12 : memref<!tpu.dma_semaphore, #tpu.memory_space<semaphore_mem>>)
    %dma_start3A_45 = arith.constant 1 : i32
    %dma_start3A_46 = arith.constant 1 : i32
    %dma_start3A_47 = arith.constant 0 : i32
    %dma_start3A_48 = tpu.memref_slice %arg9[%dma_start3A_46, %dma_start3A_47] : memref<4x128xf32, #tpu.memory_space<vmem>> -> memref<1x128xf32, #tpu.memory_space<vmem>>
    %dma_start3A_49 = tpu.memref_squeeze %dma_start3A_48 : memref<1x128xf32, #tpu.memory_space<vmem>> -> memref<128xf32, #tpu.memory_space<vmem>>
    %dma_start3A_50 = arith.constant 0 : i32
    %dma_start3A_51 = tpu.memref_slice %arg7[%dma_start3A_45, %dma_start3A_50] : memref<4x128xi32, #tpu.memory_space<vmem>> -> memref<1x128xi32, #tpu.memory_space<vmem>>
    %dma_start3A_52 = tpu.memref_squeeze %dma_start3A_51 : memref<1x128xi32, #tpu.memory_space<vmem>> -> memref<128xi32, #tpu.memory_space<vmem>>
    %dma_start3A_53 = arith.constant 0 : i32
    %dma_start3A_54 = tpu.memref_slice %arg4[%dma_start3A_53] : memref<1000000xf32, #tpu.memory_space<hbm>> -> memref<1000000xf32, #tpu.memory_space<hbm>>
    tpu.enqueue_indirect_dma source(%dma_start3A_54 : memref<1000000xf32, #tpu.memory_space<hbm>>) target(%dma_start3A_49 : memref<128xf32, #tpu.memory_space<vmem>>) offsets(%dma_start3A_52 : memref<128xi32, #tpu.memory_space<vmem>>) semaphore(%arg12 : memref<!tpu.dma_semaphore, #tpu.memory_space<semaphore_mem>>)
    %dma_start3A_55 = arith.constant 1 : i32
    %dma_start3A_56 = arith.constant 1 : i32
    %dma_start3A_57 = arith.constant 0 : i32
    %dma_start3A_58 = tpu.memref_slice %arg10[%dma_start3A_56, %dma_start3A_57] : memref<4x128xf32, #tpu.memory_space<vmem>> -> memref<1x128xf32, #tpu.memory_space<vmem>>
    %dma_start3A_59 = tpu.memref_squeeze %dma_start3A_58 : memref<1x128xf32, #tpu.memory_space<vmem>> -> memref<128xf32, #tpu.memory_space<vmem>>
    %dma_start3A_60 = arith.constant 0 : i32
    %dma_start3A_61 = tpu.memref_slice %arg8[%dma_start3A_55, %dma_start3A_60] : memref<4x128xi32, #tpu.memory_space<vmem>> -> memref<1x128xi32, #tpu.memory_space<vmem>>
    %dma_start3A_62 = tpu.memref_squeeze %dma_start3A_61 : memref<1x128xi32, #tpu.memory_space<vmem>> -> memref<128xi32, #tpu.memory_space<vmem>>
    %dma_start3A_63 = arith.constant 0 : i32
    %dma_start3A_64 = tpu.memref_slice %arg5[%dma_start3A_63] : memref<1000000xf32, #tpu.memory_space<hbm>> -> memref<1000000xf32, #tpu.memory_space<hbm>>
    tpu.enqueue_indirect_dma source(%dma_start3A_64 : memref<1000000xf32, #tpu.memory_space<hbm>>) target(%dma_start3A_59 : memref<128xf32, #tpu.memory_space<vmem>>) offsets(%dma_start3A_62 : memref<128xi32, #tpu.memory_space<vmem>>) semaphore(%arg12 : memref<!tpu.dma_semaphore, #tpu.memory_space<semaphore_mem>>)
    %dma_start3A_65 = arith.constant 2 : i32
    %dma_start3A_66 = arith.constant 2 : i32
    %dma_start3A_67 = arith.constant 0 : i32
    %dma_start3A_68 = tpu.memref_slice %arg9[%dma_start3A_66, %dma_start3A_67] : memref<4x128xf32, #tpu.memory_space<vmem>> -> memref<1x128xf32, #tpu.memory_space<vmem>>
    %dma_start3A_69 = tpu.memref_squeeze %dma_start3A_68 : memref<1x128xf32, #tpu.memory_space<vmem>> -> memref<128xf32, #tpu.memory_space<vmem>>
    %dma_start3A_70 = arith.constant 0 : i32
    %dma_start3A_71 = tpu.memref_slice %arg7[%dma_start3A_65, %dma_start3A_70] : memref<4x128xi32, #tpu.memory_space<vmem>> -> memref<1x128xi32, #tpu.memory_space<vmem>>
    %dma_start3A_72 = tpu.memref_squeeze %dma_start3A_71 : memref<1x128xi32, #tpu.memory_space<vmem>> -> memref<128xi32, #tpu.memory_space<vmem>>
    %dma_start3A_73 = arith.constant 0 : i32
    %dma_start3A_74 = tpu.memref_slice %arg4[%dma_start3A_73] : memref<1000000xf32, #tpu.memory_space<hbm>> -> memref<1000000xf32, #tpu.memory_space<hbm>>
    tpu.enqueue_indirect_dma source(%dma_start3A_74 : memref<1000000xf32, #tpu.memory_space<hbm>>) target(%dma_start3A_69 : memref<128xf32, #tpu.memory_space<vmem>>) offsets(%dma_start3A_72 : memref<128xi32, #tpu.memory_space<vmem>>) semaphore(%arg12 : memref<!tpu.dma_semaphore, #tpu.memory_space<semaphore_mem>>)
    %dma_start3A_75 = arith.constant 2 : i32
    %dma_start3A_76 = arith.constant 2 : i32
    %dma_start3A_77 = arith.constant 0 : i32
    %dma_start3A_78 = tpu.memref_slice %arg10[%dma_start3A_76, %dma_start3A_77] : memref<4x128xf32, #tpu.memory_space<vmem>> -> memref<1x128xf32, #tpu.memory_space<vmem>>
    %dma_start3A_79 = tpu.memref_squeeze %dma_start3A_78 : memref<1x128xf32, #tpu.memory_space<vmem>> -> memref<128xf32, #tpu.memory_space<vmem>>
    %dma_start3A_80 = arith.constant 0 : i32
    %dma_start3A_81 = tpu.memref_slice %arg8[%dma_start3A_75, %dma_start3A_80] : memref<4x128xi32, #tpu.memory_space<vmem>> -> memref<1x128xi32, #tpu.memory_space<vmem>>
    %dma_start3A_82 = tpu.memref_squeeze %dma_start3A_81 : memref<1x128xi32, #tpu.memory_space<vmem>> -> memref<128xi32, #tpu.memory_space<vmem>>
    %dma_start3A_83 = arith.constant 0 : i32
    %dma_start3A_84 = tpu.memref_slice %arg5[%dma_start3A_83] : memref<1000000xf32, #tpu.memory_space<hbm>> -> memref<1000000xf32, #tpu.memory_space<hbm>>
    tpu.enqueue_indirect_dma source(%dma_start3A_84 : memref<1000000xf32, #tpu.memory_space<hbm>>) target(%dma_start3A_79 : memref<128xf32, #tpu.memory_space<vmem>>) offsets(%dma_start3A_82 : memref<128xi32, #tpu.memory_space<vmem>>) semaphore(%arg12 : memref<!tpu.dma_semaphore, #tpu.memory_space<semaphore_mem>>)
    %dma_start3A_85 = arith.constant 3 : i32
    %dma_start3A_86 = arith.constant 3 : i32
    %dma_start3A_87 = arith.constant 0 : i32
    %dma_start3A_88 = tpu.memref_slice %arg9[%dma_start3A_86, %dma_start3A_87] : memref<4x128xf32, #tpu.memory_space<vmem>> -> memref<1x128xf32, #tpu.memory_space<vmem>>
    %dma_start3A_89 = tpu.memref_squeeze %dma_start3A_88 : memref<1x128xf32, #tpu.memory_space<vmem>> -> memref<128xf32, #tpu.memory_space<vmem>>
    %dma_start3A_90 = arith.constant 0 : i32
    %dma_start3A_91 = tpu.memref_slice %arg7[%dma_start3A_85, %dma_start3A_90] : memref<4x128xi32, #tpu.memory_space<vmem>> -> memref<1x128xi32, #tpu.memory_space<vmem>>
    %dma_start3A_92 = tpu.memref_squeeze %dma_start3A_91 : memref<1x128xi32, #tpu.memory_space<vmem>> -> memref<128xi32, #tpu.memory_space<vmem>>
    %dma_start3A_93 = arith.constant 0 : i32
    %dma_start3A_94 = tpu.memref_slice %arg4[%dma_start3A_93] : memref<1000000xf32, #tpu.memory_space<hbm>> -> memref<1000000xf32, #tpu.memory_space<hbm>>
    tpu.enqueue_indirect_dma source(%dma_start3A_94 : memref<1000000xf32, #tpu.memory_space<hbm>>) target(%dma_start3A_89 : memref<128xf32, #tpu.memory_space<vmem>>) offsets(%dma_start3A_92 : memref<128xi32, #tpu.memory_space<vmem>>) semaphore(%arg12 : memref<!tpu.dma_semaphore, #tpu.memory_space<semaphore_mem>>)
    %dma_start3A_95 = arith.constant 3 : i32
    %dma_start3A_96 = arith.constant 3 : i32
    %dma_start3A_97 = arith.constant 0 : i32
    %dma_start3A_98 = tpu.memref_slice %arg10[%dma_start3A_96, %dma_start3A_97] : memref<4x128xf32, #tpu.memory_space<vmem>> -> memref<1x128xf32, #tpu.memory_space<vmem>>
    %dma_start3A_99 = tpu.memref_squeeze %dma_start3A_98 : memref<1x128xf32, #tpu.memory_space<vmem>> -> memref<128xf32, #tpu.memory_space<vmem>>
    %dma_start3A_100 = arith.constant 0 : i32
    %dma_start3A_101 = tpu.memref_slice %arg8[%dma_start3A_95, %dma_start3A_100] : memref<4x128xi32, #tpu.memory_space<vmem>> -> memref<1x128xi32, #tpu.memory_space<vmem>>
    %dma_start3A_102 = tpu.memref_squeeze %dma_start3A_101 : memref<1x128xi32, #tpu.memory_space<vmem>> -> memref<128xi32, #tpu.memory_space<vmem>>
    %dma_start3A_103 = arith.constant 0 : i32
    %dma_start3A_104 = tpu.memref_slice %arg5[%dma_start3A_103] : memref<1000000xf32, #tpu.memory_space<hbm>> -> memref<1000000xf32, #tpu.memory_space<hbm>>
    tpu.enqueue_indirect_dma source(%dma_start3A_104 : memref<1000000xf32, #tpu.memory_space<hbm>>) target(%dma_start3A_99 : memref<128xf32, #tpu.memory_space<vmem>>) offsets(%dma_start3A_102 : memref<128xi32, #tpu.memory_space<vmem>>) semaphore(%arg12 : memref<!tpu.dma_semaphore, #tpu.memory_space<semaphore_mem>>)
    %dma_wait3A = arith.constant 0 : i32
    %dma_wait3A_105 = arith.constant 0 : i32
    %dma_wait3A_106 = arith.constant 0 : i32
    %dma_wait3A_107 = tpu.memref_slice %arg9[%dma_wait3A_105, %dma_wait3A_106] : memref<4x128xf32, #tpu.memory_space<vmem>> -> memref<1x128xf32, #tpu.memory_space<vmem>>
    %dma_wait3A_108 = tpu.memref_squeeze %dma_wait3A_107 : memref<1x128xf32, #tpu.memory_space<vmem>> -> memref<128xf32, #tpu.memory_space<vmem>>
    %dma_wait3A_109 = arith.constant 0 : i32
    %dma_wait3A_110 = tpu.memref_slice %arg7[%dma_wait3A, %dma_wait3A_109] : memref<4x128xi32, #tpu.memory_space<vmem>> -> memref<1x128xi32, #tpu.memory_space<vmem>>
    %dma_wait3A_111 = tpu.memref_squeeze %dma_wait3A_110 : memref<1x128xi32, #tpu.memory_space<vmem>> -> memref<128xi32, #tpu.memory_space<vmem>>
    %dma_wait3A_112 = arith.constant 0 : i32
    %dma_wait3A_113 = tpu.memref_slice %arg4[%dma_wait3A_112] : memref<1000000xf32, #tpu.memory_space<hbm>> -> memref<1000000xf32, #tpu.memory_space<hbm>>
    tpu.wait_indirect_dma semaphore(%arg12 : memref<!tpu.dma_semaphore, #tpu.memory_space<semaphore_mem>>) src(%dma_wait3A_113 : memref<1000000xf32, #tpu.memory_space<hbm>>) dst(%dma_wait3A_108 : memref<128xf32, #tpu.memory_space<vmem>>)
    %dma_wait3A_114 = arith.constant 0 : i32
    %dma_wait3A_115 = arith.constant 0 : i32
    %dma_wait3A_116 = arith.constant 0 : i32
    %dma_wait3A_117 = tpu.memref_slice %arg10[%dma_wait3A_115, %dma_wait3A_116] : memref<4x128xf32, #tpu.memory_space<vmem>> -> memref<1x128xf32, #tpu.memory_space<vmem>>
    %dma_wait3A_118 = tpu.memref_squeeze %dma_wait3A_117 : memref<1x128xf32, #tpu.memory_space<vmem>> -> memref<128xf32, #tpu.memory_space<vmem>>
    %dma_wait3A_119 = arith.constant 0 : i32
    %dma_wait3A_120 = tpu.memref_slice %arg8[%dma_wait3A_114, %dma_wait3A_119] : memref<4x128xi32, #tpu.memory_space<vmem>> -> memref<1x128xi32, #tpu.memory_space<vmem>>
    %dma_wait3A_121 = tpu.memref_squeeze %dma_wait3A_120 : memref<1x128xi32, #tpu.memory_space<vmem>> -> memref<128xi32, #tpu.memory_space<vmem>>
    %dma_wait3A_122 = arith.constant 0 : i32
    %dma_wait3A_123 = tpu.memref_slice %arg5[%dma_wait3A_122] : memref<1000000xf32, #tpu.memory_space<hbm>> -> memref<1000000xf32, #tpu.memory_space<hbm>>
    tpu.wait_indirect_dma semaphore(%arg12 : memref<!tpu.dma_semaphore, #tpu.memory_space<semaphore_mem>>) src(%dma_wait3A_123 : memref<1000000xf32, #tpu.memory_space<hbm>>) dst(%dma_wait3A_118 : memref<128xf32, #tpu.memory_space<vmem>>)
    %dma_wait3A_124 = arith.constant 1 : i32
    %dma_wait3A_125 = arith.constant 1 : i32
    %dma_wait3A_126 = arith.constant 0 : i32
    %dma_wait3A_127 = tpu.memref_slice %arg9[%dma_wait3A_125, %dma_wait3A_126] : memref<4x128xf32, #tpu.memory_space<vmem>> -> memref<1x128xf32, #tpu.memory_space<vmem>>
    %dma_wait3A_128 = tpu.memref_squeeze %dma_wait3A_127 : memref<1x128xf32, #tpu.memory_space<vmem>> -> memref<128xf32, #tpu.memory_space<vmem>>
    %dma_wait3A_129 = arith.constant 0 : i32
    %dma_wait3A_130 = tpu.memref_slice %arg7[%dma_wait3A_124, %dma_wait3A_129] : memref<4x128xi32, #tpu.memory_space<vmem>> -> memref<1x128xi32, #tpu.memory_space<vmem>>
    %dma_wait3A_131 = tpu.memref_squeeze %dma_wait3A_130 : memref<1x128xi32, #tpu.memory_space<vmem>> -> memref<128xi32, #tpu.memory_space<vmem>>
    %dma_wait3A_132 = arith.constant 0 : i32
    %dma_wait3A_133 = tpu.memref_slice %arg4[%dma_wait3A_132] : memref<1000000xf32, #tpu.memory_space<hbm>> -> memref<1000000xf32, #tpu.memory_space<hbm>>
    tpu.wait_indirect_dma semaphore(%arg12 : memref<!tpu.dma_semaphore, #tpu.memory_space<semaphore_mem>>) src(%dma_wait3A_133 : memref<1000000xf32, #tpu.memory_space<hbm>>) dst(%dma_wait3A_128 : memref<128xf32, #tpu.memory_space<vmem>>)
    %dma_wait3A_134 = arith.constant 1 : i32
    %dma_wait3A_135 = arith.constant 1 : i32
    %dma_wait3A_136 = arith.constant 0 : i32
    %dma_wait3A_137 = tpu.memref_slice %arg10[%dma_wait3A_135, %dma_wait3A_136] : memref<4x128xf32, #tpu.memory_space<vmem>> -> memref<1x128xf32, #tpu.memory_space<vmem>>
    %dma_wait3A_138 = tpu.memref_squeeze %dma_wait3A_137 : memref<1x128xf32, #tpu.memory_space<vmem>> -> memref<128xf32, #tpu.memory_space<vmem>>
    %dma_wait3A_139 = arith.constant 0 : i32
    %dma_wait3A_140 = tpu.memref_slice %arg8[%dma_wait3A_134, %dma_wait3A_139] : memref<4x128xi32, #tpu.memory_space<vmem>> -> memref<1x128xi32, #tpu.memory_space<vmem>>
    %dma_wait3A_141 = tpu.memref_squeeze %dma_wait3A_140 : memref<1x128xi32, #tpu.memory_space<vmem>> -> memref<128xi32, #tpu.memory_space<vmem>>
    %dma_wait3A_142 = arith.constant 0 : i32
    %dma_wait3A_143 = tpu.memref_slice %arg5[%dma_wait3A_142] : memref<1000000xf32, #tpu.memory_space<hbm>> -> memref<1000000xf32, #tpu.memory_space<hbm>>
    tpu.wait_indirect_dma semaphore(%arg12 : memref<!tpu.dma_semaphore, #tpu.memory_space<semaphore_mem>>) src(%dma_wait3A_143 : memref<1000000xf32, #tpu.memory_space<hbm>>) dst(%dma_wait3A_138 : memref<128xf32, #tpu.memory_space<vmem>>)
    %dma_wait3A_144 = arith.constant 2 : i32
    %dma_wait3A_145 = arith.constant 2 : i32
    %dma_wait3A_146 = arith.constant 0 : i32
    %dma_wait3A_147 = tpu.memref_slice %arg9[%dma_wait3A_145, %dma_wait3A_146] : memref<4x128xf32, #tpu.memory_space<vmem>> -> memref<1x128xf32, #tpu.memory_space<vmem>>
    %dma_wait3A_148 = tpu.memref_squeeze %dma_wait3A_147 : memref<1x128xf32, #tpu.memory_space<vmem>> -> memref<128xf32, #tpu.memory_space<vmem>>
    %dma_wait3A_149 = arith.constant 0 : i32
    %dma_wait3A_150 = tpu.memref_slice %arg7[%dma_wait3A_144, %dma_wait3A_149] : memref<4x128xi32, #tpu.memory_space<vmem>> -> memref<1x128xi32, #tpu.memory_space<vmem>>
    %dma_wait3A_151 = tpu.memref_squeeze %dma_wait3A_150 : memref<1x128xi32, #tpu.memory_space<vmem>> -> memref<128xi32, #tpu.memory_space<vmem>>
    %dma_wait3A_152 = arith.constant 0 : i32
    %dma_wait3A_153 = tpu.memref_slice %arg4[%dma_wait3A_152] : memref<1000000xf32, #tpu.memory_space<hbm>> -> memref<1000000xf32, #tpu.memory_space<hbm>>
    tpu.wait_indirect_dma semaphore(%arg12 : memref<!tpu.dma_semaphore, #tpu.memory_space<semaphore_mem>>) src(%dma_wait3A_153 : memref<1000000xf32, #tpu.memory_space<hbm>>) dst(%dma_wait3A_148 : memref<128xf32, #tpu.memory_space<vmem>>)
    %dma_wait3A_154 = arith.constant 2 : i32
    %dma_wait3A_155 = arith.constant 2 : i32
    %dma_wait3A_156 = arith.constant 0 : i32
    %dma_wait3A_157 = tpu.memref_slice %arg10[%dma_wait3A_155, %dma_wait3A_156] : memref<4x128xf32, #tpu.memory_space<vmem>> -> memref<1x128xf32, #tpu.memory_space<vmem>>
    %dma_wait3A_158 = tpu.memref_squeeze %dma_wait3A_157 : memref<1x128xf32, #tpu.memory_space<vmem>> -> memref<128xf32, #tpu.memory_space<vmem>>
    %dma_wait3A_159 = arith.constant 0 : i32
    %dma_wait3A_160 = tpu.memref_slice %arg8[%dma_wait3A_154, %dma_wait3A_159] : memref<4x128xi32, #tpu.memory_space<vmem>> -> memref<1x128xi32, #tpu.memory_space<vmem>>
    %dma_wait3A_161 = tpu.memref_squeeze %dma_wait3A_160 : memref<1x128xi32, #tpu.memory_space<vmem>> -> memref<128xi32, #tpu.memory_space<vmem>>
    %dma_wait3A_162 = arith.constant 0 : i32
    %dma_wait3A_163 = tpu.memref_slice %arg5[%dma_wait3A_162] : memref<1000000xf32, #tpu.memory_space<hbm>> -> memref<1000000xf32, #tpu.memory_space<hbm>>
    tpu.wait_indirect_dma semaphore(%arg12 : memref<!tpu.dma_semaphore, #tpu.memory_space<semaphore_mem>>) src(%dma_wait3A_163 : memref<1000000xf32, #tpu.memory_space<hbm>>) dst(%dma_wait3A_158 : memref<128xf32, #tpu.memory_space<vmem>>)
    %dma_wait3A_164 = arith.constant 3 : i32
    %dma_wait3A_165 = arith.constant 3 : i32
    %dma_wait3A_166 = arith.constant 0 : i32
    %dma_wait3A_167 = tpu.memref_slice %arg9[%dma_wait3A_165, %dma_wait3A_166] : memref<4x128xf32, #tpu.memory_space<vmem>> -> memref<1x128xf32, #tpu.memory_space<vmem>>
    %dma_wait3A_168 = tpu.memref_squeeze %dma_wait3A_167 : memref<1x128xf32, #tpu.memory_space<vmem>> -> memref<128xf32, #tpu.memory_space<vmem>>
    %dma_wait3A_169 = arith.constant 0 : i32
    %dma_wait3A_170 = tpu.memref_slice %arg7[%dma_wait3A_164, %dma_wait3A_169] : memref<4x128xi32, #tpu.memory_space<vmem>> -> memref<1x128xi32, #tpu.memory_space<vmem>>
    %dma_wait3A_171 = tpu.memref_squeeze %dma_wait3A_170 : memref<1x128xi32, #tpu.memory_space<vmem>> -> memref<128xi32, #tpu.memory_space<vmem>>
    %dma_wait3A_172 = arith.constant 0 : i32
    %dma_wait3A_173 = tpu.memref_slice %arg4[%dma_wait3A_172] : memref<1000000xf32, #tpu.memory_space<hbm>> -> memref<1000000xf32, #tpu.memory_space<hbm>>
    tpu.wait_indirect_dma semaphore(%arg12 : memref<!tpu.dma_semaphore, #tpu.memory_space<semaphore_mem>>) src(%dma_wait3A_173 : memref<1000000xf32, #tpu.memory_space<hbm>>) dst(%dma_wait3A_168 : memref<128xf32, #tpu.memory_space<vmem>>)
    %dma_wait3A_174 = arith.constant 3 : i32
    %dma_wait3A_175 = arith.constant 3 : i32
    %dma_wait3A_176 = arith.constant 0 : i32
    %dma_wait3A_177 = tpu.memref_slice %arg10[%dma_wait3A_175, %dma_wait3A_176] : memref<4x128xf32, #tpu.memory_space<vmem>> -> memref<1x128xf32, #tpu.memory_space<vmem>>
    %dma_wait3A_178 = tpu.memref_squeeze %dma_wait3A_177 : memref<1x128xf32, #tpu.memory_space<vmem>> -> memref<128xf32, #tpu.memory_space<vmem>>
    %dma_wait3A_179 = arith.constant 0 : i32
    %dma_wait3A_180 = tpu.memref_slice %arg8[%dma_wait3A_174, %dma_wait3A_179] : memref<4x128xi32, #tpu.memory_space<vmem>> -> memref<1x128xi32, #tpu.memory_space<vmem>>
    %dma_wait3A_181 = tpu.memref_squeeze %dma_wait3A_180 : memref<1x128xi32, #tpu.memory_space<vmem>> -> memref<128xi32, #tpu.memory_space<vmem>>
    %dma_wait3A_182 = arith.constant 0 : i32
    %dma_wait3A_183 = tpu.memref_slice %arg5[%dma_wait3A_182] : memref<1000000xf32, #tpu.memory_space<hbm>> -> memref<1000000xf32, #tpu.memory_space<hbm>>
    tpu.wait_indirect_dma semaphore(%arg12 : memref<!tpu.dma_semaphore, #tpu.memory_space<semaphore_mem>>) src(%dma_wait3A_183 : memref<1000000xf32, #tpu.memory_space<hbm>>) dst(%dma_wait3A_178 : memref<128xf32, #tpu.memory_space<vmem>>)
    %get3A = arith.constant 0 : i32
    %get3A_184 = arith.index_cast %get3A : i32 to index
    %get3A_185 = arith.constant 0 : index
    %get3A_186 = tpu.vector_load %arg9[%get3A_184, %get3A_185] {strides = array<i32>} : memref<4x128xf32, #tpu.memory_space<vmem>>, vector<16xf32>,
    %get3A_187 = arith.constant 0 : i32
    %get3A_188 = arith.index_cast %get3A_187 : i32 to index
    %get3A_189 = arith.constant 0 : index
    %get3A_190 = tpu.vector_load %arg10[%get3A_188, %get3A_189] {strides = array<i32>} : memref<4x128xf32, #tpu.memory_space<vmem>>, vector<16xf32>,
    %mul3A_191 = arith.mulf %get3A_186, %get3A_190 : vector<16xf32>
    %neg3A = arith.constant 0.000000e+00 : f32
    %neg3A_192 = vector.broadcast %neg3A : f32 to vector<16xf32>
    %neg3A_193 = arith.subf %neg3A_192, %mul3A_191 : vector<16xf32>
    %exp3A = math.exp %neg3A_193 : vector<16xf32>
    %add3A_194 = arith.constant 1.000000e+00 : f32
    %add3A_195 = vector.broadcast %add3A_194 : f32 to vector<16xf32>
    %add3A_196 = arith.addf %add3A_195, %exp3A : vector<16xf32>
    %div3A = arith.constant 1.000000e+00 : f32
    %div3A_197 = vector.broadcast %div3A : f32 to vector<16xf32>
    %div3A_198 = arith.divf %div3A_197, %add3A_196 : vector<16xf32>
    %swap3A = arith.constant 0 : index
    %swap3A_199 = tpu.vector_load %arg11[%swap3A] {strides = array<i32>} : memref<512xf32, #tpu.memory_space<vmem>>, vector<16xf32>,
    tpu.vector_store %arg11[%swap3A], %div3A_198 {strides = array<i32>} : memref<512xf32, #tpu.memory_space<vmem>>, vector<16xf32>,
    %get3A_200 = arith.constant 0 : i32
    %get3A_201 = arith.index_cast %get3A_200 : i32 to index
    %get3A_202 = arith.constant 16 : index
    %get3A_203 = tpu.vector_load %arg9[%get3A_201, %get3A_202] {strides = array<i32>} : memref<4x128xf32, #tpu.memory_space<vmem>>, vector<16xf32>,
    %get3A_204 = arith.constant 0 : i32
    %get3A_205 = arith.index_cast %get3A_204 : i32 to index
    %get3A_206 = arith.constant 16 : index
    %get3A_207 = tpu.vector_load %arg10[%get3A_205, %get3A_206] {strides = array<i32>} : memref<4x128xf32, #tpu.memory_space<vmem>>, vector<16xf32>,
    %mul3A_208 = arith.mulf %get3A_203, %get3A_207 : vector<16xf32>
    %neg3A_209 = arith.constant 0.000000e+00 : f32
    %neg3A_210 = vector.broadcast %neg3A_209 : f32 to vector<16xf32>
    %neg3A_211 = arith.subf %neg3A_210, %mul3A_208 : vector<16xf32>
    %exp3A_212 = math.exp %neg3A_211 : vector<16xf32>
    %add3A_213 = arith.constant 1.000000e+00 : f32
    %add3A_214 = vector.broadcast %add3A_213 : f32 to vector<16xf32>
    %add3A_215 = arith.addf %add3A_214, %exp3A_212 : vector<16xf32>
    %div3A_216 = arith.constant 1.000000e+00 : f32
    %div3A_217 = vector.broadcast %div3A_216 : f32 to vector<16xf32>
    %div3A_218 = arith.divf %div3A_217, %add3A_215 : vector<16xf32>
    %swap3A_219 = arith.constant 16 : index
    %swap3A_220 = tpu.vector_load %arg11[%swap3A_219] {strides = array<i32>} : memref<512xf32, #tpu.memory_space<vmem>>, vector<16xf32>,
    tpu.vector_store %arg11[%swap3A_219], %div3A_218 {strides = array<i32>} : memref<512xf32, #tpu.memory_space<vmem>>, vector<16xf32>,
    %get3A_221 = arith.constant 0 : i32
    %get3A_222 = arith.index_cast %get3A_221 : i32 to index
    %get3A_223 = arith.constant 32 : index
    %get3A_224 = tpu.vector_load %arg9[%get3A_222, %get3A_223] {strides = array<i32>} : memref<4x128xf32, #tpu.memory_space<vmem>>, vector<16xf32>,
    %get3A_225 = arith.constant 0 : i32
    %get3A_226 = arith.index_cast %get3A_225 : i32 to index
    %get3A_227 = arith.constant 32 : index
    %get3A_228 = tpu.vector_load %arg10[%get3A_226, %get3A_227] {strides = array<i32>} : memref<4x128xf32, #tpu.memory_space<vmem>>, vector<16xf32>,
    %mul3A_229 = arith.mulf %get3A_224, %get3A_228 : vector<16xf32>
    %neg3A_230 = arith.constant 0.000000e+00 : f32
    %neg3A_231 = vector.broadcast %neg3A_230 : f32 to vector<16xf32>
    %neg3A_232 = arith.subf %neg3A_231, %mul3A_229 : vector<16xf32>
    %exp3A_233 = math.exp %neg3A_232 : vector<16xf32>
    %add3A_234 = arith.constant 1.000000e+00 : f32
    %add3A_235 = vector.broadcast %add3A_234 : f32 to vector<16xf32>
    %add3A_236 = arith.addf %add3A_235, %exp3A_233 : vector<16xf32>
    %div3A_237 = arith.constant 1.000000e+00 : f32
    %div3A_238 = vector.broadcast %div3A_237 : f32 to vector<16xf32>
    %div3A_239 = arith.divf %div3A_238, %add3A_236 : vector<16xf32>
    %swap3A_240 = arith.constant 32 : index
    %swap3A_241 = tpu.vector_load %arg11[%swap3A_240] {strides = array<i32>} : memref<512xf32, #tpu.memory_space<vmem>>, vector<16xf32>,
    tpu.vector_store %arg11[%swap3A_240], %div3A_239 {strides = array<i32>} : memref<512xf32, #tpu.memory_space<vmem>>, vector<16xf32>,
    %get3A_242 = arith.constant 0 : i32
    %get3A_243 = arith.index_cast %get3A_242 : i32 to index
    %get3A_244 = arith.constant 48 : index
    %get3A_245 = tpu.vector_load %arg9[%get3A_243, %get3A_244] {strides = array<i32>} : memref<4x128xf32, #tpu.memory_space<vmem>>, vector<16xf32>,
    %get3A_246 = arith.constant 0 : i32
    %get3A_247 = arith.index_cast %get3A_246 : i32 to index
    %get3A_248 = arith.constant 48 : index
    %get3A_249 = tpu.vector_load %arg10[%get3A_247, %get3A_248] {strides = array<i32>} : memref<4x128xf32, #tpu.memory_space<vmem>>, vector<16xf32>,
    %mul3A_250 = arith.mulf %get3A_245, %get3A_249 : vector<16xf32>
    %neg3A_251 = arith.constant 0.000000e+00 : f32
    %neg3A_252 = vector.broadcast %neg3A_251 : f32 to vector<16xf32>
    %neg3A_253 = arith.subf %neg3A_252, %mul3A_250 : vector<16xf32>
    %exp3A_254 = math.exp %neg3A_253 : vector<16xf32>
    %add3A_255 = arith.constant 1.000000e+00 : f32
    %add3A_256 = vector.broadcast %add3A_255 : f32 to vector<16xf32>
    %add3A_257 = arith.addf %add3A_256, %exp3A_254 : vector<16xf32>
    %div3A_258 = arith.constant 1.000000e+00 : f32
    %div3A_259 = vector.broadcast %div3A_258 : f32 to vector<16xf32>
    %div3A_260 = arith.divf %div3A_259, %add3A_257 : vector<16xf32>
    %swap3A_261 = arith.constant 48 : index
    %swap3A_262 = tpu.vector_load %arg11[%swap3A_261] {strides = array<i32>} : memref<512xf32, #tpu.memory_space<vmem>>, vector<16xf32>,
    tpu.vector_store %arg11[%swap3A_261], %div3A_260 {strides = array<i32>} : memref<512xf32, #tpu.memory_space<vmem>>, vector<16xf32>,
    %get3A_263 = arith.constant 0 : i32
    %get3A_264 = arith.index_cast %get3A_263 : i32 to index
    %get3A_265 = arith.constant 64 : index
    %get3A_266 = tpu.vector_load %arg9[%get3A_264, %get3A_265] {strides = array<i32>} : memref<4x128xf32, #tpu.memory_space<vmem>>, vector<16xf32>,
    %get3A_267 = arith.constant 0 : i32
    %get3A_268 = arith.index_cast %get3A_267 : i32 to index
    %get3A_269 = arith.constant 64 : index
    %get3A_270 = tpu.vector_load %arg10[%get3A_268, %get3A_269] {strides = array<i32>} : memref<4x128xf32, #tpu.memory_space<vmem>>, vector<16xf32>,
    %mul3A_271 = arith.mulf %get3A_266, %get3A_270 : vector<16xf32>
    %neg3A_272 = arith.constant 0.000000e+00 : f32
    %neg3A_273 = vector.broadcast %neg3A_272 : f32 to vector<16xf32>
    %neg3A_274 = arith.subf %neg3A_273, %mul3A_271 : vector<16xf32>
    %exp3A_275 = math.exp %neg3A_274 : vector<16xf32>
    %add3A_276 = arith.constant 1.000000e+00 : f32
    %add3A_277 = vector.broadcast %add3A_276 : f32 to vector<16xf32>
    %add3A_278 = arith.addf %add3A_277, %exp3A_275 : vector<16xf32>
    %div3A_279 = arith.constant 1.000000e+00 : f32
    %div3A_280 = vector.broadcast %div3A_279 : f32 to vector<16xf32>
    %div3A_281 = arith.divf %div3A_280, %add3A_278 : vector<16xf32>
    %swap3A_282 = arith.constant 64 : index
    %swap3A_283 = tpu.vector_load %arg11[%swap3A_282] {strides = array<i32>} : memref<512xf32, #tpu.memory_space<vmem>>, vector<16xf32>,
    tpu.vector_store %arg11[%swap3A_282], %div3A_281 {strides = array<i32>} : memref<512xf32, #tpu.memory_space<vmem>>, vector<16xf32>,
    %get3A_284 = arith.constant 0 : i32
    %get3A_285 = arith.index_cast %get3A_284 : i32 to index
    %get3A_286 = arith.constant 80 : index
    %get3A_287 = tpu.vector_load %arg9[%get3A_285, %get3A_286] {strides = array<i32>} : memref<4x128xf32, #tpu.memory_space<vmem>>, vector<16xf32>,
    %get3A_288 = arith.constant 0 : i32
    %get3A_289 = arith.index_cast %get3A_288 : i32 to index
    %get3A_290 = arith.constant 80 : index
    %get3A_291 = tpu.vector_load %arg10[%get3A_289, %get3A_290] {strides = array<i32>} : memref<4x128xf32, #tpu.memory_space<vmem>>, vector<16xf32>,
    %mul3A_292 = arith.mulf %get3A_287, %get3A_291 : vector<16xf32>
    %neg3A_293 = arith.constant 0.000000e+00 : f32
    %neg3A_294 = vector.broadcast %neg3A_293 : f32 to vector<16xf32>
    %neg3A_295 = arith.subf %neg3A_294, %mul3A_292 : vector<16xf32>
    %exp3A_296 = math.exp %neg3A_295 : vector<16xf32>
    %add3A_297 = arith.constant 1.000000e+00 : f32
    %add3A_298 = vector.broadcast %add3A_297 : f32 to vector<16xf32>
    %add3A_299 = arith.addf %add3A_298, %exp3A_296 : vector<16xf32>
    %div3A_300 = arith.constant 1.000000e+00 : f32
    %div3A_301 = vector.broadcast %div3A_300 : f32 to vector<16xf32>
    %div3A_302 = arith.divf %div3A_301, %add3A_299 : vector<16xf32>
    %swap3A_303 = arith.constant 80 : index
    %swap3A_304 = tpu.vector_load %arg11[%swap3A_303] {strides = array<i32>} : memref<512xf32, #tpu.memory_space<vmem>>, vector<16xf32>,
    tpu.vector_store %arg11[%swap3A_303], %div3A_302 {strides = array<i32>} : memref<512xf32, #tpu.memory_space<vmem>>, vector<16xf32>,
    %get3A_305 = arith.constant 0 : i32
    %get3A_306 = arith.index_cast %get3A_305 : i32 to index
    %get3A_307 = arith.constant 96 : index
    %get3A_308 = tpu.vector_load %arg9[%get3A_306, %get3A_307] {strides = array<i32>} : memref<4x128xf32, #tpu.memory_space<vmem>>, vector<16xf32>,
    %get3A_309 = arith.constant 0 : i32
    %get3A_310 = arith.index_cast %get3A_309 : i32 to index
    %get3A_311 = arith.constant 96 : index
    %get3A_312 = tpu.vector_load %arg10[%get3A_310, %get3A_311] {strides = array<i32>} : memref<4x128xf32, #tpu.memory_space<vmem>>, vector<16xf32>,
    %mul3A_313 = arith.mulf %get3A_308, %get3A_312 : vector<16xf32>
    %neg3A_314 = arith.constant 0.000000e+00 : f32
    %neg3A_315 = vector.broadcast %neg3A_314 : f32 to vector<16xf32>
    %neg3A_316 = arith.subf %neg3A_315, %mul3A_313 : vector<16xf32>
    %exp3A_317 = math.exp %neg3A_316 : vector<16xf32>
    %add3A_318 = arith.constant 1.000000e+00 : f32
    %add3A_319 = vector.broadcast %add3A_318 : f32 to vector<16xf32>
    %add3A_320 = arith.addf %add3A_319, %exp3A_317 : vector<16xf32>
    %div3A_321 = arith.constant 1.000000e+00 : f32
    %div3A_322 = vector.broadcast %div3A_321 : f32 to vector<16xf32>
    %div3A_323 = arith.divf %div3A_322, %add3A_320 : vector<16xf32>
    %swap3A_324 = arith.constant 96 : index
    %swap3A_325 = tpu.vector_load %arg11[%swap3A_324] {strides = array<i32>} : memref<512xf32, #tpu.memory_space<vmem>>, vector<16xf32>,
    tpu.vector_store %arg11[%swap3A_324], %div3A_323 {strides = array<i32>} : memref<512xf32, #tpu.memory_space<vmem>>, vector<16xf32>,
    %get3A_326 = arith.constant 0 : i32
    %get3A_327 = arith.index_cast %get3A_326 : i32 to index
    %get3A_328 = arith.constant 112 : index
    %get3A_329 = tpu.vector_load %arg9[%get3A_327, %get3A_328] {strides = array<i32>} : memref<4x128xf32, #tpu.memory_space<vmem>>, vector<16xf32>,
    %get3A_330 = arith.constant 0 : i32
    %get3A_331 = arith.index_cast %get3A_330 : i32 to index
    %get3A_332 = arith.constant 112 : index
    %get3A_333 = tpu.vector_load %arg10[%get3A_331, %get3A_332] {strides = array<i32>} : memref<4x128xf32, #tpu.memory_space<vmem>>, vector<16xf32>,
    %mul3A_334 = arith.mulf %get3A_329, %get3A_333 : vector<16xf32>
    %neg3A_335 = arith.constant 0.000000e+00 : f32
    %neg3A_336 = vector.broadcast %neg3A_335 : f32 to vector<16xf32>
    %neg3A_337 = arith.subf %neg3A_336, %mul3A_334 : vector<16xf32>
    %exp3A_338 = math.exp %neg3A_337 : vector<16xf32>
    %add3A_339 = arith.constant 1.000000e+00 : f32
    %add3A_340 = vector.broadcast %add3A_339 : f32 to vector<16xf32>
    %add3A_341 = arith.addf %add3A_340, %exp3A_338 : vector<16xf32>
    %div3A_342 = arith.constant 1.000000e+00 : f32
    %div3A_343 = vector.broadcast %div3A_342 : f32 to vector<16xf32>
    %div3A_344 = arith.divf %div3A_343, %add3A_341 : vector<16xf32>
    %swap3A_345 = arith.constant 112 : index
    %swap3A_346 = tpu.vector_load %arg11[%swap3A_345] {strides = array<i32>} : memref<512xf32, #tpu.memory_space<vmem>>, vector<16xf32>,
    tpu.vector_store %arg11[%swap3A_345], %div3A_344 {strides = array<i32>} : memref<512xf32, #tpu.memory_space<vmem>>, vector<16xf32>,
    %get3A_347 = arith.constant 1 : i32
    %get3A_348 = arith.index_cast %get3A_347 : i32 to index
    %get3A_349 = arith.constant 0 : index
    %get3A_350 = tpu.vector_load %arg9[%get3A_348, %get3A_349] {strides = array<i32>} : memref<4x128xf32, #tpu.memory_space<vmem>>, vector<16xf32>,
    %get3A_351 = arith.constant 1 : i32
    %get3A_352 = arith.index_cast %get3A_351 : i32 to index
    %get3A_353 = arith.constant 0 : index
    %get3A_354 = tpu.vector_load %arg10[%get3A_352, %get3A_353] {strides = array<i32>} : memref<4x128xf32, #tpu.memory_space<vmem>>, vector<16xf32>,
    %mul3A_355 = arith.mulf %get3A_350, %get3A_354 : vector<16xf32>
    %neg3A_356 = arith.constant 0.000000e+00 : f32
    %neg3A_357 = vector.broadcast %neg3A_356 : f32 to vector<16xf32>
    %neg3A_358 = arith.subf %neg3A_357, %mul3A_355 : vector<16xf32>
    %exp3A_359 = math.exp %neg3A_358 : vector<16xf32>
    %add3A_360 = arith.constant 1.000000e+00 : f32
    %add3A_361 = vector.broadcast %add3A_360 : f32 to vector<16xf32>
    %add3A_362 = arith.addf %add3A_361, %exp3A_359 : vector<16xf32>
    %div3A_363 = arith.constant 1.000000e+00 : f32
    %div3A_364 = vector.broadcast %div3A_363 : f32 to vector<16xf32>
    %div3A_365 = arith.divf %div3A_364, %add3A_362 : vector<16xf32>
    %swap3A_366 = arith.constant 128 : index
    %swap3A_367 = tpu.vector_load %arg11[%swap3A_366] {strides = array<i32>} : memref<512xf32, #tpu.memory_space<vmem>>, vector<16xf32>,
    tpu.vector_store %arg11[%swap3A_366], %div3A_365 {strides = array<i32>} : memref<512xf32, #tpu.memory_space<vmem>>, vector<16xf32>,
    %get3A_368 = arith.constant 1 : i32
    %get3A_369 = arith.index_cast %get3A_368 : i32 to index
    %get3A_370 = arith.constant 16 : index
    %get3A_371 = tpu.vector_load %arg9[%get3A_369, %get3A_370] {strides = array<i32>} : memref<4x128xf32, #tpu.memory_space<vmem>>, vector<16xf32>,
    %get3A_372 = arith.constant 1 : i32
    %get3A_373 = arith.index_cast %get3A_372 : i32 to index
    %get3A_374 = arith.constant 16 : index
    %get3A_375 = tpu.vector_load %arg10[%get3A_373, %get3A_374] {strides = array<i32>} : memref<4x128xf32, #tpu.memory_space<vmem>>, vector<16xf32>,
    %mul3A_376 = arith.mulf %get3A_371, %get3A_375 : vector<16xf32>
    %neg3A_377 = arith.constant 0.000000e+00 : f32
    %neg3A_378 = vector.broadcast %neg3A_377 : f32 to vector<16xf32>
    %neg3A_379 = arith.subf %neg3A_378, %mul3A_376 : vector<16xf32>
    %exp3A_380 = math.exp %neg3A_379 : vector<16xf32>
    %add3A_381 = arith.constant 1.000000e+00 : f32
    %add3A_382 = vector.broadcast %add3A_381 : f32 to vector<16xf32>
    %add3A_383 = arith.addf %add3A_382, %exp3A_380 : vector<16xf32>
    %div3A_384 = arith.constant 1.000000e+00 : f32
    %div3A_385 = vector.broadcast %div3A_384 : f32 to vector<16xf32>
    %div3A_386 = arith.divf %div3A_385, %add3A_383 : vector<16xf32>
    %swap3A_387 = arith.constant 144 : index
    %swap3A_388 = tpu.vector_load %arg11[%swap3A_387] {strides = array<i32>} : memref<512xf32, #tpu.memory_space<vmem>>, vector<16xf32>,
    tpu.vector_store %arg11[%swap3A_387], %div3A_386 {strides = array<i32>} : memref<512xf32, #tpu.memory_space<vmem>>, vector<16xf32>,
    %get3A_389 = arith.constant 1 : i32
    %get3A_390 = arith.index_cast %get3A_389 : i32 to index
    %get3A_391 = arith.constant 32 : index
    %get3A_392 = tpu.vector_load %arg9[%get3A_390, %get3A_391] {strides = array<i32>} : memref<4x128xf32, #tpu.memory_space<vmem>>, vector<16xf32>,
    %get3A_393 = arith.constant 1 : i32
    %get3A_394 = arith.index_cast %get3A_393 : i32 to index
    %get3A_395 = arith.constant 32 : index
    %get3A_396 = tpu.vector_load %arg10[%get3A_394, %get3A_395] {strides = array<i32>} : memref<4x128xf32, #tpu.memory_space<vmem>>, vector<16xf32>,
    %mul3A_397 = arith.mulf %get3A_392, %get3A_396 : vector<16xf32>
    %neg3A_398 = arith.constant 0.000000e+00 : f32
    %neg3A_399 = vector.broadcast %neg3A_398 : f32 to vector<16xf32>
    %neg3A_400 = arith.subf %neg3A_399, %mul3A_397 : vector<16xf32>
    %exp3A_401 = math.exp %neg3A_400 : vector<16xf32>
    %add3A_402 = arith.constant 1.000000e+00 : f32
    %add3A_403 = vector.broadcast %add3A_402 : f32 to vector<16xf32>
    %add3A_404 = arith.addf %add3A_403, %exp3A_401 : vector<16xf32>
    %div3A_405 = arith.constant 1.000000e+00 : f32
    %div3A_406 = vector.broadcast %div3A_405 : f32 to vector<16xf32>
    %div3A_407 = arith.divf %div3A_406, %add3A_404 : vector<16xf32>
    %swap3A_408 = arith.constant 160 : index
    %swap3A_409 = tpu.vector_load %arg11[%swap3A_408] {strides = array<i32>} : memref<512xf32, #tpu.memory_space<vmem>>, vector<16xf32>,
    tpu.vector_store %arg11[%swap3A_408], %div3A_407 {strides = array<i32>} : memref<512xf32, #tpu.memory_space<vmem>>, vector<16xf32>,
    %get3A_410 = arith.constant 1 : i32
    %get3A_411 = arith.index_cast %get3A_410 : i32 to index
    %get3A_412 = arith.constant 48 : index
    %get3A_413 = tpu.vector_load %arg9[%get3A_411, %get3A_412] {strides = array<i32>} : memref<4x128xf32, #tpu.memory_space<vmem>>, vector<16xf32>,
    %get3A_414 = arith.constant 1 : i32
    %get3A_415 = arith.index_cast %get3A_414 : i32 to index
    %get3A_416 = arith.constant 48 : index
    %get3A_417 = tpu.vector_load %arg10[%get3A_415, %get3A_416] {strides = array<i32>} : memref<4x128xf32, #tpu.memory_space<vmem>>, vector<16xf32>,
    %mul3A_418 = arith.mulf %get3A_413, %get3A_417 : vector<16xf32>
    %neg3A_419 = arith.constant 0.000000e+00 : f32
    %neg3A_420 = vector.broadcast %neg3A_419 : f32 to vector<16xf32>
    %neg3A_421 = arith.subf %neg3A_420, %mul3A_418 : vector<16xf32>
    %exp3A_422 = math.exp %neg3A_421 : vector<16xf32>
    %add3A_423 = arith.constant 1.000000e+00 : f32
    %add3A_424 = vector.broadcast %add3A_423 : f32 to vector<16xf32>
    %add3A_425 = arith.addf %add3A_424, %exp3A_422 : vector<16xf32>
    %div3A_426 = arith.constant 1.000000e+00 : f32
    %div3A_427 = vector.broadcast %div3A_426 : f32 to vector<16xf32>
    %div3A_428 = arith.divf %div3A_427, %add3A_425 : vector<16xf32>
    %swap3A_429 = arith.constant 176 : index
    %swap3A_430 = tpu.vector_load %arg11[%swap3A_429] {strides = array<i32>} : memref<512xf32, #tpu.memory_space<vmem>>, vector<16xf32>,
    tpu.vector_store %arg11[%swap3A_429], %div3A_428 {strides = array<i32>} : memref<512xf32, #tpu.memory_space<vmem>>, vector<16xf32>,
    %get3A_431 = arith.constant 1 : i32
    %get3A_432 = arith.index_cast %get3A_431 : i32 to index
    %get3A_433 = arith.constant 64 : index
    %get3A_434 = tpu.vector_load %arg9[%get3A_432, %get3A_433] {strides = array<i32>} : memref<4x128xf32, #tpu.memory_space<vmem>>, vector<16xf32>,
    %get3A_435 = arith.constant 1 : i32
    %get3A_436 = arith.index_cast %get3A_435 : i32 to index
    %get3A_437 = arith.constant 64 : index
    %get3A_438 = tpu.vector_load %arg10[%get3A_436, %get3A_437] {strides = array<i32>} : memref<4x128xf32, #tpu.memory_space<vmem>>, vector<16xf32>,
    %mul3A_439 = arith.mulf %get3A_434, %get3A_438 : vector<16xf32>
    %neg3A_440 = arith.constant 0.000000e+00 : f32
    %neg3A_441 = vector.broadcast %neg3A_440 : f32 to vector<16xf32>
    %neg3A_442 = arith.subf %neg3A_441, %mul3A_439 : vector<16xf32>
    %exp3A_443 = math.exp %neg3A_442 : vector<16xf32>
    %add3A_444 = arith.constant 1.000000e+00 : f32
    %add3A_445 = vector.broadcast %add3A_444 : f32 to vector<16xf32>
    %add3A_446 = arith.addf %add3A_445, %exp3A_443 : vector<16xf32>
    %div3A_447 = arith.constant 1.000000e+00 : f32
    %div3A_448 = vector.broadcast %div3A_447 : f32 to vector<16xf32>
    %div3A_449 = arith.divf %div3A_448, %add3A_446 : vector<16xf32>
    %swap3A_450 = arith.constant 192 : index
    %swap3A_451 = tpu.vector_load %arg11[%swap3A_450] {strides = array<i32>} : memref<512xf32, #tpu.memory_space<vmem>>, vector<16xf32>,
    tpu.vector_store %arg11[%swap3A_450], %div3A_449 {strides = array<i32>} : memref<512xf32, #tpu.memory_space<vmem>>, vector<16xf32>,
    %get3A_452 = arith.constant 1 : i32
    %get3A_453 = arith.index_cast %get3A_452 : i32 to index
    %get3A_454 = arith.constant 80 : index
    %get3A_455 = tpu.vector_load %arg9[%get3A_453, %get3A_454] {strides = array<i32>} : memref<4x128xf32, #tpu.memory_space<vmem>>, vector<16xf32>,
    %get3A_456 = arith.constant 1 : i32
    %get3A_457 = arith.index_cast %get3A_456 : i32 to index
    %get3A_458 = arith.constant 80 : index
    %get3A_459 = tpu.vector_load %arg10[%get3A_457, %get3A_458] {strides = array<i32>} : memref<4x128xf32, #tpu.memory_space<vmem>>, vector<16xf32>,
    %mul3A_460 = arith.mulf %get3A_455, %get3A_459 : vector<16xf32>
    %neg3A_461 = arith.constant 0.000000e+00 : f32
    %neg3A_462 = vector.broadcast %neg3A_461 : f32 to vector<16xf32>
    %neg3A_463 = arith.subf %neg3A_462, %mul3A_460 : vector<16xf32>
    %exp3A_464 = math.exp %neg3A_463 : vector<16xf32>
    %add3A_465 = arith.constant 1.000000e+00 : f32
    %add3A_466 = vector.broadcast %add3A_465 : f32 to vector<16xf32>
    %add3A_467 = arith.addf %add3A_466, %exp3A_464 : vector<16xf32>
    %div3A_468 = arith.constant 1.000000e+00 : f32
    %div3A_469 = vector.broadcast %div3A_468 : f32 to vector<16xf32>
    %div3A_470 = arith.divf %div3A_469, %add3A_467 : vector<16xf32>
    %swap3A_471 = arith.constant 208 : index
    %swap3A_472 = tpu.vector_load %arg11[%swap3A_471] {strides = array<i32>} : memref<512xf32, #tpu.memory_space<vmem>>, vector<16xf32>,
    tpu.vector_store %arg11[%swap3A_471], %div3A_470 {strides = array<i32>} : memref<512xf32, #tpu.memory_space<vmem>>, vector<16xf32>,
    %get3A_473 = arith.constant 1 : i32
    %get3A_474 = arith.index_cast %get3A_473 : i32 to index
    %get3A_475 = arith.constant 96 : index
    %get3A_476 = tpu.vector_load %arg9[%get3A_474, %get3A_475] {strides = array<i32>} : memref<4x128xf32, #tpu.memory_space<vmem>>, vector<16xf32>,
    %get3A_477 = arith.constant 1 : i32
    %get3A_478 = arith.index_cast %get3A_477 : i32 to index
    %get3A_479 = arith.constant 96 : index
    %get3A_480 = tpu.vector_load %arg10[%get3A_478, %get3A_479] {strides = array<i32>} : memref<4x128xf32, #tpu.memory_space<vmem>>, vector<16xf32>,
    %mul3A_481 = arith.mulf %get3A_476, %get3A_480 : vector<16xf32>
    %neg3A_482 = arith.constant 0.000000e+00 : f32
    %neg3A_483 = vector.broadcast %neg3A_482 : f32 to vector<16xf32>
    %neg3A_484 = arith.subf %neg3A_483, %mul3A_481 : vector<16xf32>
    %exp3A_485 = math.exp %neg3A_484 : vector<16xf32>
    %add3A_486 = arith.constant 1.000000e+00 : f32
    %add3A_487 = vector.broadcast %add3A_486 : f32 to vector<16xf32>
    %add3A_488 = arith.addf %add3A_487, %exp3A_485 : vector<16xf32>
    %div3A_489 = arith.constant 1.000000e+00 : f32
    %div3A_490 = vector.broadcast %div3A_489 : f32 to vector<16xf32>
    %div3A_491 = arith.divf %div3A_490, %add3A_488 : vector<16xf32>
    %swap3A_492 = arith.constant 224 : index
    %swap3A_493 = tpu.vector_load %arg11[%swap3A_492] {strides = array<i32>} : memref<512xf32, #tpu.memory_space<vmem>>, vector<16xf32>,
    tpu.vector_store %arg11[%swap3A_492], %div3A_491 {strides = array<i32>} : memref<512xf32, #tpu.memory_space<vmem>>, vector<16xf32>,
    %get3A_494 = arith.constant 1 : i32
    %get3A_495 = arith.index_cast %get3A_494 : i32 to index
    %get3A_496 = arith.constant 112 : index
    %get3A_497 = tpu.vector_load %arg9[%get3A_495, %get3A_496] {strides = array<i32>} : memref<4x128xf32, #tpu.memory_space<vmem>>, vector<16xf32>,
    %get3A_498 = arith.constant 1 : i32
    %get3A_499 = arith.index_cast %get3A_498 : i32 to index
    %get3A_500 = arith.constant 112 : index
    %get3A_501 = tpu.vector_load %arg10[%get3A_499, %get3A_500] {strides = array<i32>} : memref<4x128xf32, #tpu.memory_space<vmem>>, vector<16xf32>,
    %mul3A_502 = arith.mulf %get3A_497, %get3A_501 : vector<16xf32>
    %neg3A_503 = arith.constant 0.000000e+00 : f32
    %neg3A_504 = vector.broadcast %neg3A_503 : f32 to vector<16xf32>
    %neg3A_505 = arith.subf %neg3A_504, %mul3A_502 : vector<16xf32>
    %exp3A_506 = math.exp %neg3A_505 : vector<16xf32>
    %add3A_507 = arith.constant 1.000000e+00 : f32
    %add3A_508 = vector.broadcast %add3A_507 : f32 to vector<16xf32>
    %add3A_509 = arith.addf %add3A_508, %exp3A_506 : vector<16xf32>
    %div3A_510 = arith.constant 1.000000e+00 : f32
    %div3A_511 = vector.broadcast %div3A_510 : f32 to vector<16xf32>
    %div3A_512 = arith.divf %div3A_511, %add3A_509 : vector<16xf32>
    %swap3A_513 = arith.constant 240 : index
    %swap3A_514 = tpu.vector_load %arg11[%swap3A_513] {strides = array<i32>} : memref<512xf32, #tpu.memory_space<vmem>>, vector<16xf32>,
    tpu.vector_store %arg11[%swap3A_513], %div3A_512 {strides = array<i32>} : memref<512xf32, #tpu.memory_space<vmem>>, vector<16xf32>,
    %get3A_515 = arith.constant 2 : i32
    %get3A_516 = arith.index_cast %get3A_515 : i32 to index
    %get3A_517 = arith.constant 0 : index
    %get3A_518 = tpu.vector_load %arg9[%get3A_516, %get3A_517] {strides = array<i32>} : memref<4x128xf32, #tpu.memory_space<vmem>>, vector<16xf32>,
    %get3A_519 = arith.constant 2 : i32
    %get3A_520 = arith.index_cast %get3A_519 : i32 to index
    %get3A_521 = arith.constant 0 : index
    %get3A_522 = tpu.vector_load %arg10[%get3A_520, %get3A_521] {strides = array<i32>} : memref<4x128xf32, #tpu.memory_space<vmem>>, vector<16xf32>,
    %mul3A_523 = arith.mulf %get3A_518, %get3A_522 : vector<16xf32>
    %neg3A_524 = arith.constant 0.000000e+00 : f32
    %neg3A_525 = vector.broadcast %neg3A_524 : f32 to vector<16xf32>
    %neg3A_526 = arith.subf %neg3A_525, %mul3A_523 : vector<16xf32>
    %exp3A_527 = math.exp %neg3A_526 : vector<16xf32>
    %add3A_528 = arith.constant 1.000000e+00 : f32
    %add3A_529 = vector.broadcast %add3A_528 : f32 to vector<16xf32>
    %add3A_530 = arith.addf %add3A_529, %exp3A_527 : vector<16xf32>
    %div3A_531 = arith.constant 1.000000e+00 : f32
    %div3A_532 = vector.broadcast %div3A_531 : f32 to vector<16xf32>
    %div3A_533 = arith.divf %div3A_532, %add3A_530 : vector<16xf32>
    %swap3A_534 = arith.constant 256 : index
    %swap3A_535 = tpu.vector_load %arg11[%swap3A_534] {strides = array<i32>} : memref<512xf32, #tpu.memory_space<vmem>>, vector<16xf32>,
    tpu.vector_store %arg11[%swap3A_534], %div3A_533 {strides = array<i32>} : memref<512xf32, #tpu.memory_space<vmem>>, vector<16xf32>,
    %get3A_536 = arith.constant 2 : i32
    %get3A_537 = arith.index_cast %get3A_536 : i32 to index
    %get3A_538 = arith.constant 16 : index
    %get3A_539 = tpu.vector_load %arg9[%get3A_537, %get3A_538] {strides = array<i32>} : memref<4x128xf32, #tpu.memory_space<vmem>>, vector<16xf32>,
    %get3A_540 = arith.constant 2 : i32
    %get3A_541 = arith.index_cast %get3A_540 : i32 to index
    %get3A_542 = arith.constant 16 : index
    %get3A_543 = tpu.vector_load %arg10[%get3A_541, %get3A_542] {strides = array<i32>} : memref<4x128xf32, #tpu.memory_space<vmem>>, vector<16xf32>,
    %mul3A_544 = arith.mulf %get3A_539, %get3A_543 : vector<16xf32>
    %neg3A_545 = arith.constant 0.000000e+00 : f32
    %neg3A_546 = vector.broadcast %neg3A_545 : f32 to vector<16xf32>
    %neg3A_547 = arith.subf %neg3A_546, %mul3A_544 : vector<16xf32>
    %exp3A_548 = math.exp %neg3A_547 : vector<16xf32>
    %add3A_549 = arith.constant 1.000000e+00 : f32
    %add3A_550 = vector.broadcast %add3A_549 : f32 to vector<16xf32>
    %add3A_551 = arith.addf %add3A_550, %exp3A_548 : vector<16xf32>
    %div3A_552 = arith.constant 1.000000e+00 : f32
    %div3A_553 = vector.broadcast %div3A_552 : f32 to vector<16xf32>
    %div3A_554 = arith.divf %div3A_553, %add3A_551 : vector<16xf32>
    %swap3A_555 = arith.constant 272 : index
    %swap3A_556 = tpu.vector_load %arg11[%swap3A_555] {strides = array<i32>} : memref<512xf32, #tpu.memory_space<vmem>>, vector<16xf32>,
    tpu.vector_store %arg11[%swap3A_555], %div3A_554 {strides = array<i32>} : memref<512xf32, #tpu.memory_space<vmem>>, vector<16xf32>,
    %get3A_557 = arith.constant 2 : i32
    %get3A_558 = arith.index_cast %get3A_557 : i32 to index
    %get3A_559 = arith.constant 32 : index
    %get3A_560 = tpu.vector_load %arg9[%get3A_558, %get3A_559] {strides = array<i32>} : memref<4x128xf32, #tpu.memory_space<vmem>>, vector<16xf32>,
    %get3A_561 = arith.constant 2 : i32
    %get3A_562 = arith.index_cast %get3A_561 : i32 to index
    %get3A_563 = arith.constant 32 : index
    %get3A_564 = tpu.vector_load %arg10[%get3A_562, %get3A_563] {strides = array<i32>} : memref<4x128xf32, #tpu.memory_space<vmem>>, vector<16xf32>,
    %mul3A_565 = arith.mulf %get3A_560, %get3A_564 : vector<16xf32>
    %neg3A_566 = arith.constant 0.000000e+00 : f32
    %neg3A_567 = vector.broadcast %neg3A_566 : f32 to vector<16xf32>
    %neg3A_568 = arith.subf %neg3A_567, %mul3A_565 : vector<16xf32>
    %exp3A_569 = math.exp %neg3A_568 : vector<16xf32>
    %add3A_570 = arith.constant 1.000000e+00 : f32
    %add3A_571 = vector.broadcast %add3A_570 : f32 to vector<16xf32>
    %add3A_572 = arith.addf %add3A_571, %exp3A_569 : vector<16xf32>
    %div3A_573 = arith.constant 1.000000e+00 : f32
    %div3A_574 = vector.broadcast %div3A_573 : f32 to vector<16xf32>
    %div3A_575 = arith.divf %div3A_574, %add3A_572 : vector<16xf32>
    %swap3A_576 = arith.constant 288 : index
    %swap3A_577 = tpu.vector_load %arg11[%swap3A_576] {strides = array<i32>} : memref<512xf32, #tpu.memory_space<vmem>>, vector<16xf32>,
    tpu.vector_store %arg11[%swap3A_576], %div3A_575 {strides = array<i32>} : memref<512xf32, #tpu.memory_space<vmem>>, vector<16xf32>,
    %get3A_578 = arith.constant 2 : i32
    %get3A_579 = arith.index_cast %get3A_578 : i32 to index
    %get3A_580 = arith.constant 48 : index
    %get3A_581 = tpu.vector_load %arg9[%get3A_579, %get3A_580] {strides = array<i32>} : memref<4x128xf32, #tpu.memory_space<vmem>>, vector<16xf32>,
    %get3A_582 = arith.constant 2 : i32
    %get3A_583 = arith.index_cast %get3A_582 : i32 to index
    %get3A_584 = arith.constant 48 : index
    %get3A_585 = tpu.vector_load %arg10[%get3A_583, %get3A_584] {strides = array<i32>} : memref<4x128xf32, #tpu.memory_space<vmem>>, vector<16xf32>,
    %mul3A_586 = arith.mulf %get3A_581, %get3A_585 : vector<16xf32>
    %neg3A_587 = arith.constant 0.000000e+00 : f32
    %neg3A_588 = vector.broadcast %neg3A_587 : f32 to vector<16xf32>
    %neg3A_589 = arith.subf %neg3A_588, %mul3A_586 : vector<16xf32>
    %exp3A_590 = math.exp %neg3A_589 : vector<16xf32>
    %add3A_591 = arith.constant 1.000000e+00 : f32
    %add3A_592 = vector.broadcast %add3A_591 : f32 to vector<16xf32>
    %add3A_593 = arith.addf %add3A_592, %exp3A_590 : vector<16xf32>
    %div3A_594 = arith.constant 1.000000e+00 : f32
    %div3A_595 = vector.broadcast %div3A_594 : f32 to vector<16xf32>
    %div3A_596 = arith.divf %div3A_595, %add3A_593 : vector<16xf32>
    %swap3A_597 = arith.constant 304 : index
    %swap3A_598 = tpu.vector_load %arg11[%swap3A_597] {strides = array<i32>} : memref<512xf32, #tpu.memory_space<vmem>>, vector<16xf32>,
    tpu.vector_store %arg11[%swap3A_597], %div3A_596 {strides = array<i32>} : memref<512xf32, #tpu.memory_space<vmem>>, vector<16xf32>,
    %get3A_599 = arith.constant 2 : i32
    %get3A_600 = arith.index_cast %get3A_599 : i32 to index
    %get3A_601 = arith.constant 64 : index
    %get3A_602 = tpu.vector_load %arg9[%get3A_600, %get3A_601] {strides = array<i32>} : memref<4x128xf32, #tpu.memory_space<vmem>>, vector<16xf32>,
    %get3A_603 = arith.constant 2 : i32
    %get3A_604 = arith.index_cast %get3A_603 : i32 to index
    %get3A_605 = arith.constant 64 : index
    %get3A_606 = tpu.vector_load %arg10[%get3A_604, %get3A_605] {strides = array<i32>} : memref<4x128xf32, #tpu.memory_space<vmem>>, vector<16xf32>,
    %mul3A_607 = arith.mulf %get3A_602, %get3A_606 : vector<16xf32>
    %neg3A_608 = arith.constant 0.000000e+00 : f32
    %neg3A_609 = vector.broadcast %neg3A_608 : f32 to vector<16xf32>
    %neg3A_610 = arith.subf %neg3A_609, %mul3A_607 : vector<16xf32>
    %exp3A_611 = math.exp %neg3A_610 : vector<16xf32>
    %add3A_612 = arith.constant 1.000000e+00 : f32
    %add3A_613 = vector.broadcast %add3A_612 : f32 to vector<16xf32>
    %add3A_614 = arith.addf %add3A_613, %exp3A_611 : vector<16xf32>
    %div3A_615 = arith.constant 1.000000e+00 : f32
    %div3A_616 = vector.broadcast %div3A_615 : f32 to vector<16xf32>
    %div3A_617 = arith.divf %div3A_616, %add3A_614 : vector<16xf32>
    %swap3A_618 = arith.constant 320 : index
    %swap3A_619 = tpu.vector_load %arg11[%swap3A_618] {strides = array<i32>} : memref<512xf32, #tpu.memory_space<vmem>>, vector<16xf32>,
    tpu.vector_store %arg11[%swap3A_618], %div3A_617 {strides = array<i32>} : memref<512xf32, #tpu.memory_space<vmem>>, vector<16xf32>,
    %get3A_620 = arith.constant 2 : i32
    %get3A_621 = arith.index_cast %get3A_620 : i32 to index
    %get3A_622 = arith.constant 80 : index
    %get3A_623 = tpu.vector_load %arg9[%get3A_621, %get3A_622] {strides = array<i32>} : memref<4x128xf32, #tpu.memory_space<vmem>>, vector<16xf32>,
    %get3A_624 = arith.constant 2 : i32
    %get3A_625 = arith.index_cast %get3A_624 : i32 to index
    %get3A_626 = arith.constant 80 : index
    %get3A_627 = tpu.vector_load %arg10[%get3A_625, %get3A_626] {strides = array<i32>} : memref<4x128xf32, #tpu.memory_space<vmem>>, vector<16xf32>,
    %mul3A_628 = arith.mulf %get3A_623, %get3A_627 : vector<16xf32>
    %neg3A_629 = arith.constant 0.000000e+00 : f32
    %neg3A_630 = vector.broadcast %neg3A_629 : f32 to vector<16xf32>
    %neg3A_631 = arith.subf %neg3A_630, %mul3A_628 : vector<16xf32>
    %exp3A_632 = math.exp %neg3A_631 : vector<16xf32>
    %add3A_633 = arith.constant 1.000000e+00 : f32
    %add3A_634 = vector.broadcast %add3A_633 : f32 to vector<16xf32>
    %add3A_635 = arith.addf %add3A_634, %exp3A_632 : vector<16xf32>
    %div3A_636 = arith.constant 1.000000e+00 : f32
    %div3A_637 = vector.broadcast %div3A_636 : f32 to vector<16xf32>
    %div3A_638 = arith.divf %div3A_637, %add3A_635 : vector<16xf32>
    %swap3A_639 = arith.constant 336 : index
    %swap3A_640 = tpu.vector_load %arg11[%swap3A_639] {strides = array<i32>} : memref<512xf32, #tpu.memory_space<vmem>>, vector<16xf32>,
    tpu.vector_store %arg11[%swap3A_639], %div3A_638 {strides = array<i32>} : memref<512xf32, #tpu.memory_space<vmem>>, vector<16xf32>,
    %get3A_641 = arith.constant 2 : i32
    %get3A_642 = arith.index_cast %get3A_641 : i32 to index
    %get3A_643 = arith.constant 96 : index
    %get3A_644 = tpu.vector_load %arg9[%get3A_642, %get3A_643] {strides = array<i32>} : memref<4x128xf32, #tpu.memory_space<vmem>>, vector<16xf32>,
    %get3A_645 = arith.constant 2 : i32
    %get3A_646 = arith.index_cast %get3A_645 : i32 to index
    %get3A_647 = arith.constant 96 : index
    %get3A_648 = tpu.vector_load %arg10[%get3A_646, %get3A_647] {strides = array<i32>} : memref<4x128xf32, #tpu.memory_space<vmem>>, vector<16xf32>,
    %mul3A_649 = arith.mulf %get3A_644, %get3A_648 : vector<16xf32>
    %neg3A_650 = arith.constant 0.000000e+00 : f32
    %neg3A_651 = vector.broadcast %neg3A_650 : f32 to vector<16xf32>
    %neg3A_652 = arith.subf %neg3A_651, %mul3A_649 : vector<16xf32>
    %exp3A_653 = math.exp %neg3A_652 : vector<16xf32>
    %add3A_654 = arith.constant 1.000000e+00 : f32
    %add3A_655 = vector.broadcast %add3A_654 : f32 to vector<16xf32>
    %add3A_656 = arith.addf %add3A_655, %exp3A_653 : vector<16xf32>
    %div3A_657 = arith.constant 1.000000e+00 : f32
    %div3A_658 = vector.broadcast %div3A_657 : f32 to vector<16xf32>
    %div3A_659 = arith.divf %div3A_658, %add3A_656 : vector<16xf32>
    %swap3A_660 = arith.constant 352 : index
    %swap3A_661 = tpu.vector_load %arg11[%swap3A_660] {strides = array<i32>} : memref<512xf32, #tpu.memory_space<vmem>>, vector<16xf32>,
    tpu.vector_store %arg11[%swap3A_660], %div3A_659 {strides = array<i32>} : memref<512xf32, #tpu.memory_space<vmem>>, vector<16xf32>,
    %get3A_662 = arith.constant 2 : i32
    %get3A_663 = arith.index_cast %get3A_662 : i32 to index
    %get3A_664 = arith.constant 112 : index
    %get3A_665 = tpu.vector_load %arg9[%get3A_663, %get3A_664] {strides = array<i32>} : memref<4x128xf32, #tpu.memory_space<vmem>>, vector<16xf32>,
    %get3A_666 = arith.constant 2 : i32
    %get3A_667 = arith.index_cast %get3A_666 : i32 to index
    %get3A_668 = arith.constant 112 : index
    %get3A_669 = tpu.vector_load %arg10[%get3A_667, %get3A_668] {strides = array<i32>} : memref<4x128xf32, #tpu.memory_space<vmem>>, vector<16xf32>,
    %mul3A_670 = arith.mulf %get3A_665, %get3A_669 : vector<16xf32>
    %neg3A_671 = arith.constant 0.000000e+00 : f32
    %neg3A_672 = vector.broadcast %neg3A_671 : f32 to vector<16xf32>
    %neg3A_673 = arith.subf %neg3A_672, %mul3A_670 : vector<16xf32>
    %exp3A_674 = math.exp %neg3A_673 : vector<16xf32>
    %add3A_675 = arith.constant 1.000000e+00 : f32
    %add3A_676 = vector.broadcast %add3A_675 : f32 to vector<16xf32>
    %add3A_677 = arith.addf %add3A_676, %exp3A_674 : vector<16xf32>
    %div3A_678 = arith.constant 1.000000e+00 : f32
    %div3A_679 = vector.broadcast %div3A_678 : f32 to vector<16xf32>
    %div3A_680 = arith.divf %div3A_679, %add3A_677 : vector<16xf32>
    %swap3A_681 = arith.constant 368 : index
    %swap3A_682 = tpu.vector_load %arg11[%swap3A_681] {strides = array<i32>} : memref<512xf32, #tpu.memory_space<vmem>>, vector<16xf32>,
    tpu.vector_store %arg11[%swap3A_681], %div3A_680 {strides = array<i32>} : memref<512xf32, #tpu.memory_space<vmem>>, vector<16xf32>,
    %get3A_683 = arith.constant 3 : i32
    %get3A_684 = arith.index_cast %get3A_683 : i32 to index
    %get3A_685 = arith.constant 0 : index
    %get3A_686 = tpu.vector_load %arg9[%get3A_684, %get3A_685] {strides = array<i32>} : memref<4x128xf32, #tpu.memory_space<vmem>>, vector<16xf32>,
    %get3A_687 = arith.constant 3 : i32
    %get3A_688 = arith.index_cast %get3A_687 : i32 to index
    %get3A_689 = arith.constant 0 : index
    %get3A_690 = tpu.vector_load %arg10[%get3A_688, %get3A_689] {strides = array<i32>} : memref<4x128xf32, #tpu.memory_space<vmem>>, vector<16xf32>,
    %mul3A_691 = arith.mulf %get3A_686, %get3A_690 : vector<16xf32>
    %neg3A_692 = arith.constant 0.000000e+00 : f32
    %neg3A_693 = vector.broadcast %neg3A_692 : f32 to vector<16xf32>
    %neg3A_694 = arith.subf %neg3A_693, %mul3A_691 : vector<16xf32>
    %exp3A_695 = math.exp %neg3A_694 : vector<16xf32>
    %add3A_696 = arith.constant 1.000000e+00 : f32
    %add3A_697 = vector.broadcast %add3A_696 : f32 to vector<16xf32>
    %add3A_698 = arith.addf %add3A_697, %exp3A_695 : vector<16xf32>
    %div3A_699 = arith.constant 1.000000e+00 : f32
    %div3A_700 = vector.broadcast %div3A_699 : f32 to vector<16xf32>
    %div3A_701 = arith.divf %div3A_700, %add3A_698 : vector<16xf32>
    %swap3A_702 = arith.constant 384 : index
    %swap3A_703 = tpu.vector_load %arg11[%swap3A_702] {strides = array<i32>} : memref<512xf32, #tpu.memory_space<vmem>>, vector<16xf32>,
    tpu.vector_store %arg11[%swap3A_702], %div3A_701 {strides = array<i32>} : memref<512xf32, #tpu.memory_space<vmem>>, vector<16xf32>,
    %get3A_704 = arith.constant 3 : i32
    %get3A_705 = arith.index_cast %get3A_704 : i32 to index
    %get3A_706 = arith.constant 16 : index
    %get3A_707 = tpu.vector_load %arg9[%get3A_705, %get3A_706] {strides = array<i32>} : memref<4x128xf32, #tpu.memory_space<vmem>>, vector<16xf32>,
    %get3A_708 = arith.constant 3 : i32
    %get3A_709 = arith.index_cast %get3A_708 : i32 to index
    %get3A_710 = arith.constant 16 : index
    %get3A_711 = tpu.vector_load %arg10[%get3A_709, %get3A_710] {strides = array<i32>} : memref<4x128xf32, #tpu.memory_space<vmem>>, vector<16xf32>,
    %mul3A_712 = arith.mulf %get3A_707, %get3A_711 : vector<16xf32>
    %neg3A_713 = arith.constant 0.000000e+00 : f32
    %neg3A_714 = vector.broadcast %neg3A_713 : f32 to vector<16xf32>
    %neg3A_715 = arith.subf %neg3A_714, %mul3A_712 : vector<16xf32>
    %exp3A_716 = math.exp %neg3A_715 : vector<16xf32>
    %add3A_717 = arith.constant 1.000000e+00 : f32
    %add3A_718 = vector.broadcast %add3A_717 : f32 to vector<16xf32>
    %add3A_719 = arith.addf %add3A_718, %exp3A_716 : vector<16xf32>
    %div3A_720 = arith.constant 1.000000e+00 : f32
    %div3A_721 = vector.broadcast %div3A_720 : f32 to vector<16xf32>
    %div3A_722 = arith.divf %div3A_721, %add3A_719 : vector<16xf32>
    %swap3A_723 = arith.constant 400 : index
    %swap3A_724 = tpu.vector_load %arg11[%swap3A_723] {strides = array<i32>} : memref<512xf32, #tpu.memory_space<vmem>>, vector<16xf32>,
    tpu.vector_store %arg11[%swap3A_723], %div3A_722 {strides = array<i32>} : memref<512xf32, #tpu.memory_space<vmem>>, vector<16xf32>,
    %get3A_725 = arith.constant 3 : i32
    %get3A_726 = arith.index_cast %get3A_725 : i32 to index
    %get3A_727 = arith.constant 32 : index
    %get3A_728 = tpu.vector_load %arg9[%get3A_726, %get3A_727] {strides = array<i32>} : memref<4x128xf32, #tpu.memory_space<vmem>>, vector<16xf32>,
    %get3A_729 = arith.constant 3 : i32
    %get3A_730 = arith.index_cast %get3A_729 : i32 to index
    %get3A_731 = arith.constant 32 : index
    %get3A_732 = tpu.vector_load %arg10[%get3A_730, %get3A_731] {strides = array<i32>} : memref<4x128xf32, #tpu.memory_space<vmem>>, vector<16xf32>,
    %mul3A_733 = arith.mulf %get3A_728, %get3A_732 : vector<16xf32>
    %neg3A_734 = arith.constant 0.000000e+00 : f32
    %neg3A_735 = vector.broadcast %neg3A_734 : f32 to vector<16xf32>
    %neg3A_736 = arith.subf %neg3A_735, %mul3A_733 : vector<16xf32>
    %exp3A_737 = math.exp %neg3A_736 : vector<16xf32>
    %add3A_738 = arith.constant 1.000000e+00 : f32
    %add3A_739 = vector.broadcast %add3A_738 : f32 to vector<16xf32>
    %add3A_740 = arith.addf %add3A_739, %exp3A_737 : vector<16xf32>
    %div3A_741 = arith.constant 1.000000e+00 : f32
    %div3A_742 = vector.broadcast %div3A_741 : f32 to vector<16xf32>
    %div3A_743 = arith.divf %div3A_742, %add3A_740 : vector<16xf32>
    %swap3A_744 = arith.constant 416 : index
    %swap3A_745 = tpu.vector_load %arg11[%swap3A_744] {strides = array<i32>} : memref<512xf32, #tpu.memory_space<vmem>>, vector<16xf32>,
    tpu.vector_store %arg11[%swap3A_744], %div3A_743 {strides = array<i32>} : memref<512xf32, #tpu.memory_space<vmem>>, vector<16xf32>,
    %get3A_746 = arith.constant 3 : i32
    %get3A_747 = arith.index_cast %get3A_746 : i32 to index
    %get3A_748 = arith.constant 48 : index
    %get3A_749 = tpu.vector_load %arg9[%get3A_747, %get3A_748] {strides = array<i32>} : memref<4x128xf32, #tpu.memory_space<vmem>>, vector<16xf32>,
    %get3A_750 = arith.constant 3 : i32
    %get3A_751 = arith.index_cast %get3A_750 : i32 to index
    %get3A_752 = arith.constant 48 : index
    %get3A_753 = tpu.vector_load %arg10[%get3A_751, %get3A_752] {strides = array<i32>} : memref<4x128xf32, #tpu.memory_space<vmem>>, vector<16xf32>,
    %mul3A_754 = arith.mulf %get3A_749, %get3A_753 : vector<16xf32>
    %neg3A_755 = arith.constant 0.000000e+00 : f32
    %neg3A_756 = vector.broadcast %neg3A_755 : f32 to vector<16xf32>
    %neg3A_757 = arith.subf %neg3A_756, %mul3A_754 : vector<16xf32>
    %exp3A_758 = math.exp %neg3A_757 : vector<16xf32>
    %add3A_759 = arith.constant 1.000000e+00 : f32
    %add3A_760 = vector.broadcast %add3A_759 : f32 to vector<16xf32>
    %add3A_761 = arith.addf %add3A_760, %exp3A_758 : vector<16xf32>
    %div3A_762 = arith.constant 1.000000e+00 : f32
    %div3A_763 = vector.broadcast %div3A_762 : f32 to vector<16xf32>
    %div3A_764 = arith.divf %div3A_763, %add3A_761 : vector<16xf32>
    %swap3A_765 = arith.constant 432 : index
    %swap3A_766 = tpu.vector_load %arg11[%swap3A_765] {strides = array<i32>} : memref<512xf32, #tpu.memory_space<vmem>>, vector<16xf32>,
    tpu.vector_store %arg11[%swap3A_765], %div3A_764 {strides = array<i32>} : memref<512xf32, #tpu.memory_space<vmem>>, vector<16xf32>,
    %get3A_767 = arith.constant 3 : i32
    %get3A_768 = arith.index_cast %get3A_767 : i32 to index
    %get3A_769 = arith.constant 64 : index
    %get3A_770 = tpu.vector_load %arg9[%get3A_768, %get3A_769] {strides = array<i32>} : memref<4x128xf32, #tpu.memory_space<vmem>>, vector<16xf32>,
    %get3A_771 = arith.constant 3 : i32
    %get3A_772 = arith.index_cast %get3A_771 : i32 to index
    %get3A_773 = arith.constant 64 : index
    %get3A_774 = tpu.vector_load %arg10[%get3A_772, %get3A_773] {strides = array<i32>} : memref<4x128xf32, #tpu.memory_space<vmem>>, vector<16xf32>,
    %mul3A_775 = arith.mulf %get3A_770, %get3A_774 : vector<16xf32>
    %neg3A_776 = arith.constant 0.000000e+00 : f32
    %neg3A_777 = vector.broadcast %neg3A_776 : f32 to vector<16xf32>
    %neg3A_778 = arith.subf %neg3A_777, %mul3A_775 : vector<16xf32>
    %exp3A_779 = math.exp %neg3A_778 : vector<16xf32>
    %add3A_780 = arith.constant 1.000000e+00 : f32
    %add3A_781 = vector.broadcast %add3A_780 : f32 to vector<16xf32>
    %add3A_782 = arith.addf %add3A_781, %exp3A_779 : vector<16xf32>
    %div3A_783 = arith.constant 1.000000e+00 : f32
    %div3A_784 = vector.broadcast %div3A_783 : f32 to vector<16xf32>
    %div3A_785 = arith.divf %div3A_784, %add3A_782 : vector<16xf32>
    %swap3A_786 = arith.constant 448 : index
    %swap3A_787 = tpu.vector_load %arg11[%swap3A_786] {strides = array<i32>} : memref<512xf32, #tpu.memory_space<vmem>>, vector<16xf32>,
    tpu.vector_store %arg11[%swap3A_786], %div3A_785 {strides = array<i32>} : memref<512xf32, #tpu.memory_space<vmem>>, vector<16xf32>,
    %get3A_788 = arith.constant 3 : i32
    %get3A_789 = arith.index_cast %get3A_788 : i32 to index
    %get3A_790 = arith.constant 80 : index
    %get3A_791 = tpu.vector_load %arg9[%get3A_789, %get3A_790] {strides = array<i32>} : memref<4x128xf32, #tpu.memory_space<vmem>>, vector<16xf32>,
    %get3A_792 = arith.constant 3 : i32
    %get3A_793 = arith.index_cast %get3A_792 : i32 to index
    %get3A_794 = arith.constant 80 : index
    %get3A_795 = tpu.vector_load %arg10[%get3A_793, %get3A_794] {strides = array<i32>} : memref<4x128xf32, #tpu.memory_space<vmem>>, vector<16xf32>,
    %mul3A_796 = arith.mulf %get3A_791, %get3A_795 : vector<16xf32>
    %neg3A_797 = arith.constant 0.000000e+00 : f32
    %neg3A_798 = vector.broadcast %neg3A_797 : f32 to vector<16xf32>
    %neg3A_799 = arith.subf %neg3A_798, %mul3A_796 : vector<16xf32>
    %exp3A_800 = math.exp %neg3A_799 : vector<16xf32>
    %add3A_801 = arith.constant 1.000000e+00 : f32
    %add3A_802 = vector.broadcast %add3A_801 : f32 to vector<16xf32>
    %add3A_803 = arith.addf %add3A_802, %exp3A_800 : vector<16xf32>
    %div3A_804 = arith.constant 1.000000e+00 : f32
    %div3A_805 = vector.broadcast %div3A_804 : f32 to vector<16xf32>
    %div3A_806 = arith.divf %div3A_805, %add3A_803 : vector<16xf32>
    %swap3A_807 = arith.constant 464 : index
    %swap3A_808 = tpu.vector_load %arg11[%swap3A_807] {strides = array<i32>} : memref<512xf32, #tpu.memory_space<vmem>>, vector<16xf32>,
    tpu.vector_store %arg11[%swap3A_807], %div3A_806 {strides = array<i32>} : memref<512xf32, #tpu.memory_space<vmem>>, vector<16xf32>,
    %get3A_809 = arith.constant 3 : i32
    %get3A_810 = arith.index_cast %get3A_809 : i32 to index
    %get3A_811 = arith.constant 96 : index
    %get3A_812 = tpu.vector_load %arg9[%get3A_810, %get3A_811] {strides = array<i32>} : memref<4x128xf32, #tpu.memory_space<vmem>>, vector<16xf32>,
    %get3A_813 = arith.constant 3 : i32
    %get3A_814 = arith.index_cast %get3A_813 : i32 to index
    %get3A_815 = arith.constant 96 : index
    %get3A_816 = tpu.vector_load %arg10[%get3A_814, %get3A_815] {strides = array<i32>} : memref<4x128xf32, #tpu.memory_space<vmem>>, vector<16xf32>,
    %mul3A_817 = arith.mulf %get3A_812, %get3A_816 : vector<16xf32>
    %neg3A_818 = arith.constant 0.000000e+00 : f32
    %neg3A_819 = vector.broadcast %neg3A_818 : f32 to vector<16xf32>
    %neg3A_820 = arith.subf %neg3A_819, %mul3A_817 : vector<16xf32>
    %exp3A_821 = math.exp %neg3A_820 : vector<16xf32>
    %add3A_822 = arith.constant 1.000000e+00 : f32
    %add3A_823 = vector.broadcast %add3A_822 : f32 to vector<16xf32>
    %add3A_824 = arith.addf %add3A_823, %exp3A_821 : vector<16xf32>
    %div3A_825 = arith.constant 1.000000e+00 : f32
    %div3A_826 = vector.broadcast %div3A_825 : f32 to vector<16xf32>
    %div3A_827 = arith.divf %div3A_826, %add3A_824 : vector<16xf32>
    %swap3A_828 = arith.constant 480 : index
    %swap3A_829 = tpu.vector_load %arg11[%swap3A_828] {strides = array<i32>} : memref<512xf32, #tpu.memory_space<vmem>>, vector<16xf32>,
    tpu.vector_store %arg11[%swap3A_828], %div3A_827 {strides = array<i32>} : memref<512xf32, #tpu.memory_space<vmem>>, vector<16xf32>,
    %get3A_830 = arith.constant 3 : i32
    %get3A_831 = arith.index_cast %get3A_830 : i32 to index
    %get3A_832 = arith.constant 112 : index
    %get3A_833 = tpu.vector_load %arg9[%get3A_831, %get3A_832] {strides = array<i32>} : memref<4x128xf32, #tpu.memory_space<vmem>>, vector<16xf32>,
    %get3A_834 = arith.constant 3 : i32
    %get3A_835 = arith.index_cast %get3A_834 : i32 to index
    %get3A_836 = arith.constant 112 : index
    %get3A_837 = tpu.vector_load %arg10[%get3A_835, %get3A_836] {strides = array<i32>} : memref<4x128xf32, #tpu.memory_space<vmem>>, vector<16xf32>,
    %mul3A_838 = arith.mulf %get3A_833, %get3A_837 : vector<16xf32>
    %neg3A_839 = arith.constant 0.000000e+00 : f32
    %neg3A_840 = vector.broadcast %neg3A_839 : f32 to vector<16xf32>
    %neg3A_841 = arith.subf %neg3A_840, %mul3A_838 : vector<16xf32>
    %exp3A_842 = math.exp %neg3A_841 : vector<16xf32>
    %add3A_843 = arith.constant 1.000000e+00 : f32
    %add3A_844 = vector.broadcast %add3A_843 : f32 to vector<16xf32>
    %add3A_845 = arith.addf %add3A_844, %exp3A_842 : vector<16xf32>
    %div3A_846 = arith.constant 1.000000e+00 : f32
    %div3A_847 = vector.broadcast %div3A_846 : f32 to vector<16xf32>
    %div3A_848 = arith.divf %div3A_847, %add3A_845 : vector<16xf32>
    %swap3A_849 = arith.constant 496 : index
    %swap3A_850 = tpu.vector_load %arg11[%swap3A_849] {strides = array<i32>} : memref<512xf32, #tpu.memory_space<vmem>>, vector<16xf32>,
    tpu.vector_store %arg11[%swap3A_849], %div3A_848 {strides = array<i32>} : memref<512xf32, #tpu.memory_space<vmem>>, vector<16xf32>,
    "tpu.region"() ({
      %run_scoped3A_851 = tpu.sem_alloc : memref<!tpu.dma_semaphore, #tpu.memory_space<semaphore_mem>>
      %dma_start3A_852 = tpu.memref_slice %arg6[%mul3A_2] : memref<16384xf32, #tpu.memory_space<hbm>> -> memref<512xf32, #tpu.memory_space<hbm>>
      %dma_start3A_853 = tpu.memref_slice %arg6[%mul3A_2] : memref<16384xf32, #tpu.memory_space<hbm>> -> memref<512xf32, #tpu.memory_space<hbm>>
      tpu.enqueue_dma source(%arg11 : memref<512xf32, #tpu.memory_space<vmem>>) target(%dma_start3A_853 : memref<512xf32, #tpu.memory_space<hbm>>) target_semaphore(%run_scoped3A_851 : memref<!tpu.dma_semaphore, #tpu.memory_space<semaphore_mem>>)
      %dma_wait3A_854 = tpu.memref_slice %arg6[%mul3A_2] : memref<16384xf32, #tpu.memory_space<hbm>> -> memref<512xf32, #tpu.memory_space<hbm>>
      %dma_wait3A_855 = tpu.memref_slice %arg6[%mul3A_2] : memref<16384xf32, #tpu.memory_space<hbm>> -> memref<512xf32, #tpu.memory_space<hbm>>
      tpu.wait_dma2 semaphore(%run_scoped3A_851 : memref<!tpu.dma_semaphore, #tpu.memory_space<semaphore_mem>>) src(%arg11 : memref<512xf32, #tpu.memory_space<vmem>>) dst(%dma_wait3A_855 : memref<512xf32, #tpu.memory_space<hbm>>)
      tpu.yield
    }) : () -> ()
    return
  }
}

module attributes {stable_mosaic.version = 14 : i64} {
  func.func @_rowsum_body(%arg0: i32, %arg1: memref<32x32768xf32, #tpu.memory_space<vmem>>, %arg2: memref<32x32768xf32, #tpu.memory_space<vmem>>, %arg3: memref<32768xf32, #tpu.memory_space<vmem>>, %arg4: memref<32768xf32, #tpu.memory_space<vmem>>) attributes {dimension_semantics = [#tpu.dimension_semantics<arbitrary>], iteration_bounds = array<i64: 31>, scalar_prefetch = 0 : i64, scratch_operands = 0 : i64, tpu.core_type = #tpu.core_type<tc>, window_params = [{transform_indices = @transform_0, window_bounds = array<i64: 32, 32768>}, {transform_indices = @transform_1, window_bounds = array<i64: 32, 32768>}, {transform_indices = @transform_2, window_bounds = array<i64: 32768>}, {transform_indices = @transform_3, window_bounds = array<i64: 32768>}]} {
    %broadcast_in_dim3A = arith.constant 1.000000e+00 : f32
    %broadcast_in_dim3A_0 = vector.broadcast %broadcast_in_dim3A : f32 to vector<8x32xf32>
    %get3A = arith.constant 0 : index
    %get3A_1 = arith.constant 0 : index
    %get3A_2 = vector.load %arg1[%get3A, %get3A_1] : memref<32x32768xf32, #tpu.memory_space<vmem>>, vector<32x32768xf32>
    %dot_general3A = arith.constant dense<0.000000e+00> : vector<8x32768xf32>
    %dot_general3A_3 = tpu.matmul %broadcast_in_dim3A_0, %get3A_2, %dot_general3A {dimension_numbers = #tpu.dot_dimension_numbers<[1], [0], [0], [1], [0, 0, 1, 1], [], []>, transpose_lhs_hint = false} : vector<8x32xf32>, vector<32x32768xf32>, vector<8x32768xf32> -> vector<8x32768xf32>
    %slice3A = vector.extract_strided_slice %dot_general3A_3 {offsets = [0, 0], sizes = [1, 32768], strides = [1, 1]} : vector<8x32768xf32> to vector<1x32768xf32>
    %squeeze3A = vector.shape_cast %slice3A : vector<1x32768xf32> to vector<32768xf32>
    %swap3A = arith.constant 0 : index
    %swap3A_4 = vector.load %arg3[%swap3A] : memref<32768xf32, #tpu.memory_space<vmem>>, vector<32768xf32>
    tpu.vector_store %arg3[%swap3A], %squeeze3A {strides = array<i32>} : memref<32768xf32, #tpu.memory_space<vmem>>, vector<32768xf32>,
    %get3A_5 = arith.constant 0 : index
    %get3A_6 = arith.constant 0 : index
    %get3A_7 = vector.load %arg2[%get3A_5, %get3A_6] : memref<32x32768xf32, #tpu.memory_space<vmem>>, vector<32x32768xf32>
    %dot_general3A_8 = arith.constant dense<0.000000e+00> : vector<8x32768xf32>
    %dot_general3A_9 = tpu.matmul %broadcast_in_dim3A_0, %get3A_7, %dot_general3A_8 {dimension_numbers = #tpu.dot_dimension_numbers<[1], [0], [0], [1], [0, 0, 1, 1], [], []>, transpose_lhs_hint = false} : vector<8x32xf32>, vector<32x32768xf32>, vector<8x32768xf32> -> vector<8x32768xf32>
    %slice3A_10 = vector.extract_strided_slice %dot_general3A_9 {offsets = [0, 0], sizes = [1, 32768], strides = [1, 1]} : vector<8x32768xf32> to vector<1x32768xf32>
    %squeeze3A_11 = vector.shape_cast %slice3A_10 : vector<1x32768xf32> to vector<32768xf32>
    %swap3A_12 = arith.constant 0 : index
    %swap3A_13 = vector.load %arg4[%swap3A_12] : memref<32768xf32, #tpu.memory_space<vmem>>, vector<32768xf32>
    tpu.vector_store %arg4[%swap3A_12], %squeeze3A_11 {strides = array<i32>} : memref<32768xf32, #tpu.memory_space<vmem>>, vector<32768xf32>,
    return
  }
  func.func @transform_0(%arg0: i32) -> (i32, i32) {
    %c0_i32 = arith.constant 0 : i32
    %c0_i32_0 = arith.constant 0 : i32
    return %c0_i32, %arg0 : i32, i32
  }
  func.func @transform_1(%arg0: i32) -> (i32, i32) {
    %c0_i32 = arith.constant 0 : i32
    %c0_i32_0 = arith.constant 0 : i32
    return %c0_i32, %arg0 : i32, i32
  }
  func.func @transform_2(%arg0: i32) -> i32 {
    %c0_i32 = arith.constant 0 : i32
    return %arg0 : i32
  }
  func.func @transform_3(%arg0: i32) -> i32 {
    %c0_i32 = arith.constant 0 : i32
    return %arg0 : i32
  }
}

</mosaic_0001>

<sc_bundles>
// kernel: kernel.4.cloned.1.call-start
scs
__scs_entry_jumppad:
0x0: {  	(pc) =	sbr.rel $0x88, $3  }
0x1: {  	(tag) =	ssettag $0x0;
	lr =	simm.s32 $0x1  }
0x2: {  	[smem:$0x3F9D] =	sst lr;
	_ =	strace $0xD0000000  }
0x3: {  	_ = 	snop  }
0x4: {  	_ = 	snop  }
0x5: {  	_ = 	snop  }
0x6: {  	_ = 	snop  }
0x7: {  	_ = 	snop  }
__scs_overlays_trampoline_lowered:
0x8: {  	[smem:$0x3FAC] =	sst s0  }
0x9: {  	[smem:$0x3FAD] =	sst s1  }
0xa: {  	[smem:$0x3FAE] =	sst s2  }
0xb: {  	[smem:$0x3FAF] =	sst s3  }
0xc: {  	[smem:$0x3FB0] =	sst s4  }
0xd: {  	[smem:$0x3FB1] =	sst s5  }
0xe: {  	[smem:$0x3FB2] =	sst s6  }
0xf: {  	[smem:$0x3FB3] =	sst s7  }
0x10: {  	[smem:$0x3FB4] =	sst s8  }
0x11: {  	[smem:$0x3FB5] =	sst s9;
	s0 =	simm.s32 @!p0 $0x0  }
0x12: {  	s1 =	sld [smem:$0x3F9B];
	s0 =	simm.s32 @p0 $0x1  }
0x13: {  	[smem:$0x3FB6] =	sst s0;
	s0 =	simm.s32 @!p1 $0x0  }
0x14: {  	s2 =	sld [smem:$0x3F9A];
	s0 =	simm.s32 @p1 $0x1  }
0x15: {  	[smem:$0x3FB7] =	sst s0;
	s0 =	simm.s32 @!p2 $0x0  }
0x16: {  	s3 =	sld [smem:$0x3FDB];
	s0 =	simm.s32 @p2 $0x1  }
0x17: {  	s4 =	simm.s32 $0x1BF5;
	[smem:$0x3FB9] =	sst s0  }
0x18: {  	s0 =	sld [smem:$0x3F9C];
	_ =	swait.ge [sflag:s4], $0x0  }
0x19: {  	s7 =	sld [smem:$0x3F9D]  }
0x1a: {  	s8 =	sadd.s32 $0xFFFFE003, lr  }
0x1b: {  	s9 =	sadd.s32 $0xFFFFFEF7, lr;
	s5 =	simm.s32 $0xFFFFFFFF;
	p2 =	slt.u32 s8, $0xFFFFF086  }
0x1c: {  	p1 =	slt.u32 s9, $0xF7A;
	s5 =	simm.s32 @!p2 $0x0  }
0x1d: {  	s5 =	simm.s32 @p1 $0x1;
	p0 =	seq.s32 s7, s2  }
0x1e: {  	s7 =	smul.u32 @!p0 $0xF7A, s2;
	p2 =	seq.s32 @!p0 s5, $0x0  }
0x1f: {  	s9 =	smul.u32 $0xF7A, s1;
	s8 =	simm.s32 @!p0 $0x1BF5;
	p2 =	por !p2, p0  }
0x20: {  	[sflag:s8] =	ssyncset.s32 @!p0 $0xFFFFF086;
	s6 =	sadd.s32 @!p0 s3, s7;
	s7 =	simm.s32 @!p0 $0x108  }
0x21: {  	s3 =	sadd.s32 s3, s9;
	s6 =	sadd.s32 @!p0 $0x88, s6;
	s7 =	simm.s32 @p2 $0x1082  }
0x22: {  	[simem:s7], [sflag:s8] =	dma.local @!p0 [hbm:s6], $0xF7A  }
0x23: {  	s9 =	sor.u32 $0xD0000000, s2;
	s6 =	simm.s32 $0x108;
	_ =	swait.ge @!p0 [sflag:s8], $0x0  }
0x24: {  	s3 =	sadd.s32 $0x88, s3;
	s6 =	simm.s32 @!p1 $0x1082;
	[sflag:s4] =	ssyncset.s32 $0xFFFFF086  }
0x25: {  	[simem:s6], [sflag:s4] =	dma.local [hbm:s3], $0xF7A  }
0x26: {  	[smem:$0x3F9D] =	sst s1;
	(tag) =	ssettag s2;
	_ =	strace s9  }
0x27: {  	s1 =	sld [smem:$0x3FAD]  }
0x28: {  	s2 =	sld [smem:$0x3FAE]  }
0x29: {  	s4 =	sld [smem:$0x3FB0]  }
0x2a: {  	p0 =	seq.s32 s5, $0x0;
	s5 =	sld [smem:$0x3FB1]  }
0x2b: {  	s6 =	sld [smem:$0x3FB2]  }
0x2c: {  	s7 =	sld [smem:$0x3FB3]  }
0x2d: {  	s3 =	simm.s32 $0x108;
	s8 =	sld [smem:$0x3FB4]  }
0x2e: {  	s3 =	simm.s32 @!p0 $0x1082;
	s9 =	sld [smem:$0x3FB5]  }
0x2f: {  	lr =	sadd.s32 s0, s3;
	s0 =	sld [smem:$0x3FAC]  }
0x30: {  	s3 =	sld [smem:$0x3FAF]  }
0x31: {  	[smem:$0x3FB8] =	sst s10  }
0x32: {  	s10 =	sld [smem:$0x3FB6];
	_ =	sdelay $0x3  }
0x33: {  	p0 =	seq.s32 s10, $0x1;
	s10 =	sld [smem:$0x3FB8];
	_ =	sdelay $0x3  }
0x34: {  	[smem:$0x3FB8] =	sst s10  }
0x35: {  	s10 =	sld [smem:$0x3FB7];
	_ =	sdelay $0x3  }
0x36: {  	p1 =	seq.s32 s10, $0x1;
	s10 =	sld [smem:$0x3FB8];
	_ =	sdelay $0x3  }
0x37: {  	[smem:$0x3FB8] =	sst s10  }
0x38: {  	s10 =	sld [smem:$0x3FB9]  }
0x39: {  	_ = 	snop;
	(pc) =	sbr.ind lr, $3  }
0x3a: {  	_ = 	snop  }
0x3b: {  	_ = 	snop  }
0x3c: {  	p2 =	seq.s32 s10, $0x1;
	s10 =	sld [smem:$0x3FB8]  }
0x3d: {  	_ =	shalt  }
0x3e: {  	_ =	shalt  }
0x3f: {  	_ =	shalt  }
0x40: {  	_ =	shalt  }
0x41: {  	_ =	shalt  }
0x42: {  	_ =	shalt  }
0x43: {  	_ =	shalt  }
0x44: {  	_ =	shalt  }
0x45: {  	_ =	shalt  }
0x46: {  	_ =	shalt  }
0x47: {  	_ =	shalt  }
0x48: {  	_ =	shalt  }
0x49: {  	_ =	shalt  }
0x4a: {  	_ =	shalt  }
0x4b: {  	_ =	shalt  }
0x4c: {  	_ =	shalt  }
0x4d: {  	_ =	shalt  }
0x4e: {  	_ =	shalt  }
0x4f: {  	_ =	shalt  }
0x50: {  	_ =	shalt  }
0x51: {  	_ =	shalt  }
0x52: {  	_ =	shalt  }
0x53: {  	_ =	shalt  }
0x54: {  	_ =	shalt  }
0x55: {  	_ =	shalt  }
0x56: {  	_ =	shalt  }
0x57: {  	_ =	shalt  }
0x58: {  	_ =	shalt  }
0x59: {  	_ =	shalt  }
0x5a: {  	_ =	shalt  }
0x5b: {  	_ =	shalt  }
0x5c: {  	_ =	shalt  }
0x5d: {  	_ =	shalt  }
0x5e: {  	_ =	shalt  }
0x5f: {  	_ =	shalt  }
0x60: {  	_ =	shalt  }
0x61: {  	_ =	shalt  }
0x62: {  	_ =	shalt  }
0x63: {  	_ =	shalt  }
0x64: {  	_ =	shalt  }
0x65: {  	_ =	shalt  }
0x66: {  	_ =	shalt  }
0x67: {  	_ =	shalt  }
0x68: {  	_ =	shalt  }
0x69: {  	_ =	shalt  }
0x6a: {  	_ =	shalt  }
0x6b: {  	_ =	shalt  }
0x6c: {  	_ =	shalt  }
0x6d: {  	_ =	shalt  }
0x6e: {  	_ =	shalt  }
0x6f: {  	_ =	shalt  }
0x70: {  	_ =	shalt  }
0x71: {  	_ =	shalt  }
0x72: {  	_ =	shalt  }
0x73: {  	_ =	shalt  }
0x74: {  	_ =	shalt  }
0x75: {  	_ =	shalt  }
0x76: {  	_ =	shalt  }
0x77: {  	_ =	shalt  }
0x78: {  	_ =	shalt  }
0x79: {  	_ =	shalt  }
0x7a: {  	_ =	shalt  }
0x7b: {  	_ =	shalt  }
0x7c: {  	_ =	shalt  }
0x7d: {  	_ =	shalt  }
0x7e: {  	_ =	shalt  }
0x7f: {  	_ =	shalt  }
0x80: {  	_ =	shalt  }
0x81: {  	_ =	shalt  }
0x82: {  	_ =	shalt  }
0x83: {  	_ =	shalt  }
0x84: {  	_ =	shalt  }
0x85: {  	_ =	shalt  }
0x86: {  	_ =	shalt  }
0x87: {  	_ =	shalt  }
.Lfunc_end0:
.L_simem_size_0:
called_computation_lowered:
.L_overlay_start_0:
0x88: {  	s2 =	sld [smem:$0x3FD9]  }
0x89: {  	s3 =	sld [smem:$0x3FFE];
	_ =	sdelay $0x1  }
0x8a: {  	s1 =	srdreg.scid  }
0x8b: {  	s0 =	sand.u32 $0x1, s1  }
0x8c: {  	s17 =	sshll.u32 s0, $0xA;
	s2 =	sadd.s32 s3, s2  }
0x8d: {  	s2 =	sadd.s32 s2, s17  }
0x8e: {  	[smem:$0x3FC4] =	sst s2  }
0x8f: {  	_ = 	snop  }
0x90: {  	s2 =	sld [smem:$0x3FC9]  }
0x91: {  	s18 =	sld [smem:$0x3FC8]  }
0x92: {  	s4 =	sld [smem:$0x3FD0];
	(tm) =	ssettm $0x1  }
0x93: {  	s5 =	sld [smem:$0x3FFB];
	_ =	sdelay $0x3  }
0x94: {  	_ =	strace s5  }
0x95: {  	s5 =	sld [smem:$0x3FFC];
	_ =	sdelay $0x3  }
0x96: {  	_ =	strace s5  }
0x97: {  	s5 =	sld [smem:$0x3FFD];
	_ =	sdelay $0x3  }
0x98: {  	_ =	strace s5  }
0x99: {  	_ =	strace $0x8FFFFFFF  }
0x9a: {  	s19 =	sld [smem:$0x3FDB];
	_ =	sdelay $0x1  }
0x9b: {  	s6 =	simm.s32 $_scs_section_size  }
0x9c: {  	s7 =	simm.s32 $_size__tile_overlayer_lowered;
	s8 =	simm.s32 $_tile_overlayer_lowered  }
0x9d: {  	s22 =	simm.s32 $0x1BFF;
	s21 =	sshll.u32 s8, $0x1;
	s5 =	sadd.s32 s6, s19  }
0x9e: {  	s9 =	simm.s32 $0x0;
	s20 =	sshll.u32 s7, $0x1;
	s7 =	sadd.s32 s21, s5  }
0x9f: {  	[timem:s9], [sflag:s22] =	dma.local [hbm:s7], s20  }
0xa0: {  	_ =	swait.ge [sflag:s22], s20  }
0xa1: {  	s6 =	ssub.s32 $0x0, s20;
	[sflag:s22] =	ssyncset.done $0x0  }
0xa2: {  	[sflag:s22] =	ssyncadd.s32 s6;
	_ =	sdelay $0x1  }
0xa3: {  	s23 =	simm.s32 $0x1B8B  }
0xa4: {  	_ =	swait.ge [sflag:s23], $0x1  }
0xa5: {  	[sflag:s23] =	ssyncset.done $0x0  }
0xa6: {  	s25 =	simm.s32 $0x1B8E;
	s24 =	sld [smem:$0x3FFE];
	[sflag:s23] =	ssyncadd.s32 $0xFFFFFFFF  }
0xa7: {  	s26 =	simm.s32 $execute0_lowered;
	[smem:$0x3FD2] =	sst s25  }
0xa8: {  	s7 =	sshll.u32 s26, $0x1;
	_ =	strace $0x80000046;
	[dreg:$0x1] =	wrdreg $0xFFFFFFFF  }
0xa9: {  	s28 =	simm.s32 $_size_execute0_lowered;
	s5 =	sadd.s32 s5, s7;
	[dreg:$0x0] =	wrdreg $0x0  }
0xaa: {  	s7 =	sshll.u32 s28, $0x1;
	[dreg:$0x2] =	wrdreg s5  }
0xab: {  	[dreg:$0x3] =	wrdreg s7  }
0xac: {  	[dreg:$0x4] =	wrdreg $0xC0  }
0xad: {  	_ =	task [dreg:s9], $0x5FFFF  }
0xae: {  	[dreg:$0x1] =	wrdreg $0xFFFFFFFF  }
0xaf: {  	[dreg:$0x0] =	wrdreg $0x60  }
0xb0: {  	[dreg:$0x2] =	wrdreg s2  }
0xb1: {  	[dreg:$0x3] =	wrdreg s18  }
0xb2: {  	[dreg:$0x4] =	wrdreg s24  }
0xb3: {  	[dreg:$0x5] =	wrdreg s4  }
0xb4: {  	[dreg:$0x6] =	wrdreg $0x9  }
0xb5: {  	_ =	task.clear_ibuf [dreg:s9], $0x7FFFF;
	_ =	strace $0x90000046  }
0xb6: {  	s29 =	simm.s32 $0x9;
	_ =	strace $0x80000048  }
0xb7: {  	_ =	swait.ge [sflag:s29], $0x1  }
0xb8: {  	[sflag:s29] =	ssyncadd.s32 $0xFFFFFFFF  }
0xb9: {  	_ =	strace $0x90000048  }
0xba: {  	_ =	sfence  }
0xbb: {  	s30 =	sld [smem:$0x0];
	_ =	sdelay $0x2  }
0xbc: {  	s31 =	sshll.u32 s1, $0xD;
	s1 =	sshrl.u32 s1, $0x2  }
0xbd: {  	s3 =	sand.u32 $0x4000, s31;
	s1 =	sadd.s32 s1, s30  }
0xbe: {  	s0 =	sor.u32 s3, s0;
	s1 =	sshll.u32 s1, $0x11  }
0xbf: {  	s0 =	sor.u32 s1, s0  }
0xc0: {  	s0 =	sadd.s32 $0x8F2B, s0  }
0xc1: {  	[sflag:s0] =	ssyncadd.remote.s32 $0x1  }
0xc2: {  	_ =	sfence.sel $0xFFFF  }
0xc3: {  	[dreg:$0x0] =	wrdreg $0xFFFFFFFF;
	(pc) =	sbr.abs _section_cstart, $3  }
0xc4: {  	[dreg:$0x1] =	wrdreg $0xFFFFFFFF  }
0xc5: {  	_ =	task.clear_ibuf [dreg:s9], $0x2FFFF;
	_ =	strace $0x9FFFFFFF  }
0xc6: {  	(tm) =	ssettm $0x7FFFFFFF  }
0xc7: {  	_ =	shalt  }
tec
execute0_lowered:
.L_overlay_start_1:
0x0: {  	(tag) =	ssettag $0x1  }
0x1: {  	s0 =	rddreg [dreg:$0x0]  }
0x2: {  	s11 =	rddreg [dreg:$0x1]  }
0x3: {  	s4 =	rddreg [dreg:$0x2]  }
0x4: {  	s12 =	rddreg [dreg:$0x3];
	s1 =	simm.s32 $0x0  }
0x5: {  	s5 =	srdreg.scid;
	s2 =	stileid.u32;
	s16 =	simm.s32 $0x80  }
0x6: {  	s17 =	simm.s32 $0x280;
	s18 =	simm.s32 $0x100;
	s19 =	simm.s32 $0x300  }
0x7: {  	s20 =	simm.s32 $0x180;
	s21 =	simm.s32 $0x380;
	s22 =	simm.s32 $0x400  }
0x8: {  	s23 =	simm.s32 $0x600;
	s24 =	simm.s32 $0x480;
	s25 =	simm.s32 $0x680  }
0x9: {  	s26 =	simm.s32 $0x500;
	s28 =	simm.s32 $0x700;
	s29 =	simm.s32 $0x580  }
0xa: {  	s30 =	simm.s32 $0x780;
	s31 =	simm.s32 $0x1;
	[smem:$0x7FF] =	sst s1  }
0xb: {  	s3 =	sadd.s32 $0xA00, s4;
	s5 =	sand.u32 $0x1, s5;
	s7 =	sshll.u32 s2, $0x7  }
0xc: {  	s4 =	sadd.s32 $0x1F400, s4;
	s6 =	ssub.s32 $0x2, s5;
	s5 =	sshll.u32 s5, $0x6  }
0xd: {  	_ =	strace $0x80000047;
	s8 =	sshrl.u32 s6, $0x1;
	s13 =	sor.u32 s5, s7  }
0xe: {  	s14 =	ssub.s32 s6, s8;
	s5 =	sadd.s32 s0, s13;
	s7 =	sor.u32 $0x10, s13  }
0xf: {  	s9 =	sor.u32 $0x20, s13;
	s15 =	sor.u32 $0x30, s13;
	s12 =	sadd.s32 s12, s13  }
0x10: {  	[dreg:$0x5] =	wrdreg s5;
	s5 =	sadd.s32 s11, s13;
	s6 =	sadd.s32 s0, s7  }
0x11: {  	s7 =	sadd.s32 s11, s7;
	s8 =	sadd.s32 s0, s9;
	s9 =	sadd.s32 s11, s9  }
0x12: {  	s10 =	sadd.s32 s0, s15;
	s11 =	sadd.s32 s11, s15;
	s13 =	smax.u32 s14, $0x1  }
0x13: {  	s14 =	simm.s32 $0x2;
	s15 =	simm.s32 $0x200;
	s0 =	simm.s32 $0x800  }
.LBB2_1:
0x14: {  	s2 =	rddreg [dreg:$0x5]  }
0x15: {  	[tilespmem:s1], [sflag:$0x2] =	stream.linear.gather [hbm4b:s2+s1], $0x80, $0x38;
	[tilespmem:$0xA00] =	vst v63  }
0x16: {  	_ =	swait.ge [sflag:s14], $0x80  }
0x17: {  	[sflag:s14] =	ssyncset.done $0x0  }
0x18: {  	[sflag:s14] =	ssyncadd.s32 $0xFFFFFF80  }
0x19: {  	[tilespmem:s15], [sflag:$0x2] =	stream.linear.gather [hbm4b:s5+s1], $0x80, $0x38;
	[tilespmem:$0xA00] =	vst v63  }
0x1a: {  	_ =	swait.ge [sflag:s14], $0x80  }
0x1b: {  	[sflag:s14] =	ssyncset.done $0x0  }
0x1c: {  	[sflag:s14] =	ssyncadd.s32 $0xFFFFFF80  }
0x1d: {  	[tilespmem:s16], [sflag:$0x2] =	stream.linear.gather [hbm4b:s6+s1], $0x80, $0x38;
	[tilespmem:$0xA00] =	vst v63  }
0x1e: {  	_ =	swait.ge [sflag:s14], $0x80  }
0x1f: {  	[sflag:s14] =	ssyncset.done $0x0  }
0x20: {  	[sflag:s14] =	ssyncadd.s32 $0xFFFFFF80  }
0x21: {  	[tilespmem:s17], [sflag:$0x2] =	stream.linear.gather [hbm4b:s7+s1], $0x80, $0x38;
	[tilespmem:$0xA00] =	vst v63  }
0x22: {  	_ =	swait.ge [sflag:s14], $0x80  }
0x23: {  	[sflag:s14] =	ssyncset.done $0x0  }
0x24: {  	[sflag:s14] =	ssyncadd.s32 $0xFFFFFF80  }
0x25: {  	[tilespmem:s18], [sflag:$0x2] =	stream.linear.gather [hbm4b:s8+s1], $0x80, $0x38;
	[tilespmem:$0xA00] =	vst v63  }
0x26: {  	_ =	swait.ge [sflag:s14], $0x80  }
0x27: {  	[sflag:s14] =	ssyncset.done $0x0  }
0x28: {  	[sflag:s14] =	ssyncadd.s32 $0xFFFFFF80  }
0x29: {  	[tilespmem:s19], [sflag:$0x2] =	stream.linear.gather [hbm4b:s9+s1], $0x80, $0x38;
	[tilespmem:$0xA00] =	vst v63  }
0x2a: {  	_ =	swait.ge [sflag:s14], $0x80  }
0x2b: {  	[sflag:s14] =	ssyncset.done $0x0  }
0x2c: {  	[sflag:s14] =	ssyncadd.s32 $0xFFFFFF80  }
0x2d: {  	[tilespmem:s20], [sflag:$0x2] =	stream.linear.gather [hbm4b:s10+s1], $0x80, $0x38;
	[tilespmem:$0xA00] =	vst v63  }
0x2e: {  	_ =	swait.ge [sflag:s14], $0x80  }
0x2f: {  	[sflag:s14] =	ssyncset.done $0x0  }
0x30: {  	[sflag:s14] =	ssyncadd.s32 $0xFFFFFF80  }
0x31: {  	[tilespmem:s21], [sflag:$0x2] =	stream.linear.gather [hbm4b:s11+s1], $0x80, $0x38;
	[tilespmem:$0xA00] =	vst v63  }
0x32: {  	_ =	swait.ge [sflag:s14], $0x80  }
0x33: {  	[sflag:s14] =	ssyncset.done $0x0  }
0x34: {  	[sflag:s14] =	ssyncadd.s32 $0xFFFFFF80  }
0x35: {  	[tilespmem:s22], [sflag:$0x1] =	stream.indirect.gather [hbm4b:s3+s16], $0x1, s1, s16, $0xb8;
	[tilespmem:$0xA00] =	vst v63  }
0x36: {  	_ = 	snop  }
0x37: {  	[tilespmem:s23], [sflag:$0x1] =	stream.indirect.gather [hbm4b:s4+s16], $0x1, s15, s16, $0xb8;
	[tilespmem:$0xA00] =	vst v63  }
0x38: {  	_ = 	snop  }
0x39: {  	[tilespmem:s24], [sflag:$0x1] =	stream.indirect.gather [hbm4b:s3+s16], $0x1, s16, s16, $0xb8;
	[tilespmem:$0xA00] =	vst v63  }
0x3a: {  	_ = 	snop  }
0x3b: {  	[tilespmem:s25], [sflag:$0x1] =	stream.indirect.gather [hbm4b:s4+s16], $0x1, s17, s16, $0xb8;
	[tilespmem:$0xA00] =	vst v63  }
0x3c: {  	_ = 	snop  }
0x3d: {  	[tilespmem:s26], [sflag:$0x1] =	stream.indirect.gather [hbm4b:s3+s16], $0x1, s18, s16, $0xb8;
	[tilespmem:$0xA00] =	vst v63  }
0x3e: {  	_ = 	snop  }
0x3f: {  	[tilespmem:s28], [sflag:$0x1] =	stream.indirect.gather [hbm4b:s4+s16], $0x1, s19, s16, $0xb8;
	[tilespmem:$0xA00] =	vst v63  }
0x40: {  	_ = 	snop  }
0x41: {  	[tilespmem:s29], [sflag:$0x1] =	stream.indirect.gather [hbm4b:s3+s16], $0x1, s20, s16, $0xb8;
	[tilespmem:$0xA00] =	vst v63  }
0x42: {  	_ = 	snop  }
0x43: {  	[tilespmem:s30], [sflag:$0x1] =	stream.indirect.gather [hbm4b:s4+s16], $0x1, s21, s16, $0xb8;
	[tilespmem:$0xA00] =	vst v63  }
0x44: {  	_ =	swait.ge [sflag:s31], $0x80  }
0x45: {  	[sflag:s31] =	ssyncset.done $0x0  }
0x46: {  	[sflag:s31] =	ssyncadd.s32 $0xFFFFFF80  }
0x47: {  	_ =	swait.ge [sflag:s31], $0x80  }
0x48: {  	[sflag:s31] =	ssyncset.done $0x0  }
0x49: {  	[sflag:s31] =	ssyncadd.s32 $0xFFFFFF80  }
0x4a: {  	_ =	swait.ge [sflag:s31], $0x80  }
0x4b: {  	[sflag:s31] =	ssyncset.done $0x0  }
0x4c: {  	[sflag:s31] =	ssyncadd.s32 $0xFFFFFF80  }
0x4d: {  	_ =	swait.ge [sflag:s31], $0x80  }
0x4e: {  	[sflag:s31] =	ssyncset.done $0x0  }
0x4f: {  	[sflag:s31] =	ssyncadd.s32 $0xFFFFFF80  }
0x50: {  	_ =	swait.ge [sflag:s31], $0x80  }
0x51: {  	[sflag:s31] =	ssyncset.done $0x0  }
0x52: {  	[sflag:s31] =	ssyncadd.s32 $0xFFFFFF80  }
0x53: {  	_ =	swait.ge [sflag:s31], $0x80  }
0x54: {  	[sflag:s31] =	ssyncset.done $0x0  }
0x55: {  	[sflag:s31] =	ssyncadd.s32 $0xFFFFFF80  }
0x56: {  	_ =	swait.ge [sflag:s31], $0x80  }
0x57: {  	[sflag:s31] =	ssyncset.done $0x0  }
0x58: {  	[sflag:s31] =	ssyncadd.s32 $0xFFFFFF80  }
0x59: {  	_ =	swait.ge [sflag:s31], $0x80  }
0x5a: {  	[sflag:s31] =	ssyncset.done $0x0  }
0x5b: {  	[sflag:s31] =	ssyncadd.s32 $0xFFFFFF80  }
0x5c: {  	v0 =	vld [tilespmem:$0x400]  }
0x5d: {  	v1 =	vld [tilespmem:$0x600];
	_ =	sdelay $0x4  }
0x5e: {  	v0 =	vmul.f32 v1, v0;
	_ =	sdelay $0x1  }
0x5f: {  	v0 =	vsub.f32 $0.0e+00, v0;
	_ =	sdelay $0x1  }
0x60: {  	v0 =	vmul.f32 $1.442695020e+00, v0;
	_ =	sdelay $0x1  }
0x61: {  	(erf) = vpow2.f32 v0  }
0x62: {  	v18 =	vld [tilespmem:$0x410]  }
0x63: {  	v19 =	vld [tilespmem:$0x610];
	_ =	sdelay $0x4  }
0x64: {  	v0 =	vmul.f32 v19, v18;
	_ =	sdelay $0x1  }
0x65: {  	v0 =	vsub.f32 $0.0e+00, v0;
	v20 =	vpop (erf)  }
0x66: {  	v1 =	vadd.f32 $1.000000000e+00, v20  }
0x67: {  	v0 =	vmul.f32 $1.442695020e+00, v0  }
0x68: {  	(erf) = vrcp.f32 v1  }
0x69: {  	(erf) = vpow2.f32 v0  }
0x6a: {  	v21 =	vld [tilespmem:$0x420]  }
0x6b: {  	v22 =	vld [tilespmem:$0x620];
	_ =	sdelay $0x4  }
0x6c: {  	v1 =	vmul.f32 v22, v21  }
0x6d: {  	v0 =	vpop (erf)  }
0x6e: {  	v1 =	vsub.f32 $0.0e+00, v1;
	v2 =	vpop (erf)  }
0x6f: {  	v2 =	vadd.f32 $1.000000000e+00, v2  }
0x70: {  	v1 =	vmul.f32 $1.442695020e+00, v1  }
0x71: {  	(erf) = vrcp.f32 v2  }
0x72: {  	(erf) = vpow2.f32 v1  }
0x73: {  	v23 =	vld [tilespmem:$0x430]  }
0x74: {  	v24 =	vld [tilespmem:$0x630];
	_ =	sdelay $0x4  }
0x75: {  	v2 =	vmul.f32 v24, v23  }
0x76: {  	v1 =	vpop (erf)  }
0x77: {  	v2 =	vsub.f32 $0.0e+00, v2;
	v3 =	vpop (erf)  }
0x78: {  	v3 =	vadd.f32 $1.000000000e+00, v3  }
0x79: {  	v2 =	vmul.f32 $1.442695020e+00, v2  }
0x7a: {  	(erf) = vrcp.f32 v3  }
0x7b: {  	(erf) = vpow2.f32 v2  }
0x7c: {  	v25 =	vld [tilespmem:$0x440]  }
0x7d: {  	v26 =	vld [tilespmem:$0x640];
	_ =	sdelay $0x4  }
0x7e: {  	v3 =	vmul.f32 v26, v25  }
0x7f: {  	v2 =	vpop (erf)  }
0x80: {  	v3 =	vsub.f32 $0.0e+00, v3;
	v4 =	vpop (erf)  }
0x81: {  	v4 =	vadd.f32 $1.000000000e+00, v4  }
0x82: {  	v3 =	vmul.f32 $1.442695020e+00, v3  }
0x83: {  	(erf) = vrcp.f32 v4  }
0x84: {  	(erf) = vpow2.f32 v3  }
0x85: {  	v27 =	vld [tilespmem:$0x450]  }
0x86: {  	v28 =	vld [tilespmem:$0x650];
	_ =	sdelay $0x4  }
0x87: {  	v4 =	vmul.f32 v28, v27  }
0x88: {  	v3 =	vpop (erf)  }
0x89: {  	v4 =	vsub.f32 $0.0e+00, v4;
	v5 =	vpop (erf)  }
0x8a: {  	v5 =	vadd.f32 $1.000000000e+00, v5  }
0x8b: {  	v4 =	vmul.f32 $1.442695020e+00, v4  }
0x8c: {  	(erf) = vrcp.f32 v5  }
0x8d: {  	(erf) = vpow2.f32 v4  }
0x8e: {  	v29 =	vld [tilespmem:$0x460]  }
0x8f: {  	v30 =	vld [tilespmem:$0x660];
	_ =	sdelay $0x4  }
0x90: {  	v5 =	vmul.f32 v30, v29  }
0x91: {  	v4 =	vpop (erf)  }
0x92: {  	v5 =	vsub.f32 $0.0e+00, v5;
	v6 =	vpop (erf)  }
0x93: {  	v6 =	vadd.f32 $1.000000000e+00, v6  }
0x94: {  	v5 =	vmul.f32 $1.442695020e+00, v5  }
0x95: {  	(erf) = vrcp.f32 v6  }
0x96: {  	(erf) = vpow2.f32 v5  }
0x97: {  	v31 =	vld [tilespmem:$0x470]  }
0x98: {  	v32 =	vld [tilespmem:$0x670];
	_ =	sdelay $0x4  }
0x99: {  	v6 =	vmul.f32 v32, v31  }
0x9a: {  	v5 =	vpop (erf)  }
0x9b: {  	v6 =	vsub.f32 $0.0e+00, v6;
	v7 =	vpop (erf)  }
0x9c: {  	v7 =	vadd.f32 $1.000000000e+00, v7  }
0x9d: {  	v6 =	vmul.f32 $1.442695020e+00, v6  }
0x9e: {  	(erf) = vrcp.f32 v7  }
0x9f: {  	(erf) = vpow2.f32 v6  }
0xa0: {  	v33 =	vld [tilespmem:$0x480]  }
0xa1: {  	v34 =	vld [tilespmem:$0x680];
	_ =	sdelay $0x4  }
0xa2: {  	v7 =	vmul.f32 v34, v33  }
0xa3: {  	v6 =	vpop (erf)  }
0xa4: {  	v7 =	vsub.f32 $0.0e+00, v7;
	v8 =	vpop (erf)  }
0xa5: {  	v8 =	vadd.f32 $1.000000000e+00, v8  }
0xa6: {  	v7 =	vmul.f32 $1.442695020e+00, v7  }
0xa7: {  	(erf) = vrcp.f32 v8  }
0xa8: {  	(erf) = vpow2.f32 v7  }
0xa9: {  	v35 =	vld [tilespmem:$0x490]  }
0xaa: {  	v36 =	vld [tilespmem:$0x690];
	_ =	sdelay $0x4  }
0xab: {  	v8 =	vmul.f32 v36, v35  }
0xac: {  	v7 =	vpop (erf)  }
0xad: {  	v8 =	vsub.f32 $0.0e+00, v8;
	v9 =	vpop (erf)  }
0xae: {  	v9 =	vadd.f32 $1.000000000e+00, v9  }
0xaf: {  	v8 =	vmul.f32 $1.442695020e+00, v8  }
0xb0: {  	(erf) = vrcp.f32 v9  }
0xb1: {  	(erf) = vpow2.f32 v8  }
0xb2: {  	v37 =	vld [tilespmem:$0x4A0]  }
0xb3: {  	v38 =	vld [tilespmem:$0x6A0];
	_ =	sdelay $0x4  }
0xb4: {  	v9 =	vmul.f32 v38, v37  }
0xb5: {  	v8 =	vpop (erf)  }
0xb6: {  	v9 =	vsub.f32 $0.0e+00, v9;
	v10 =	vpop (erf)  }
0xb7: {  	v10 =	vadd.f32 $1.000000000e+00, v10  }
0xb8: {  	v9 =	vmul.f32 $1.442695020e+00, v9  }
0xb9: {  	(erf) = vrcp.f32 v10  }
0xba: {  	(erf) = vpow2.f32 v9  }
0xbb: {  	v39 =	vld [tilespmem:$0x4B0]  }
0xbc: {  	v40 =	vld [tilespmem:$0x6B0];
	_ =	sdelay $0x4  }
0xbd: {  	v10 =	vmul.f32 v40, v39  }
0xbe: {  	v9 =	vpop (erf)  }
0xbf: {  	v10 =	vsub.f32 $0.0e+00, v10;
	v11 =	vpop (erf)  }
0xc0: {  	v11 =	vadd.f32 $1.000000000e+00, v11  }
0xc1: {  	v10 =	vmul.f32 $1.442695020e+00, v10  }
0xc2: {  	(erf) = vrcp.f32 v11  }
0xc3: {  	(erf) = vpow2.f32 v10  }
0xc4: {  	v41 =	vld [tilespmem:$0x4C0]  }
0xc5: {  	v42 =	vld [tilespmem:$0x6C0];
	_ =	sdelay $0x4  }
0xc6: {  	v11 =	vmul.f32 v42, v41  }
0xc7: {  	v10 =	vpop (erf)  }
0xc8: {  	v11 =	vsub.f32 $0.0e+00, v11;
	v12 =	vpop (erf)  }
0xc9: {  	v12 =	vadd.f32 $1.000000000e+00, v12  }
0xca: {  	v11 =	vmul.f32 $1.442695020e+00, v11  }
0xcb: {  	(erf) = vrcp.f32 v12  }
0xcc: {  	(erf) = vpow2.f32 v11  }
0xcd: {  	v43 =	vld [tilespmem:$0x4D0]  }
0xce: {  	v44 =	vld [tilespmem:$0x6D0];
	_ =	sdelay $0x4  }
0xcf: {  	v12 =	vmul.f32 v44, v43  }
0xd0: {  	v11 =	vpop (erf)  }
0xd1: {  	v12 =	vsub.f32 $0.0e+00, v12;
	v13 =	vpop (erf)  }
0xd2: {  	v13 =	vadd.f32 $1.000000000e+00, v13  }
0xd3: {  	v12 =	vmul.f32 $1.442695020e+00, v12  }
0xd4: {  	(erf) = vrcp.f32 v13  }
0xd5: {  	(erf) = vpow2.f32 v12  }
0xd6: {  	v45 =	vld [tilespmem:$0x4E0]  }
0xd7: {  	v46 =	vld [tilespmem:$0x6E0];
	_ =	sdelay $0x4  }
0xd8: {  	v13 =	vmul.f32 v46, v45  }
0xd9: {  	v12 =	vpop (erf)  }
0xda: {  	v13 =	vsub.f32 $0.0e+00, v13;
	v14 =	vpop (erf)  }
0xdb: {  	v14 =	vadd.f32 $1.000000000e+00, v14  }
0xdc: {  	v13 =	vmul.f32 $1.442695020e+00, v13  }
0xdd: {  	(erf) = vrcp.f32 v14  }
0xde: {  	(erf) = vpow2.f32 v13  }
0xdf: {  	v47 =	vld [tilespmem:$0x4F0]  }
0xe0: {  	v48 =	vld [tilespmem:$0x6F0];
	_ =	sdelay $0x4  }
0xe1: {  	v14 =	vmul.f32 v48, v47  }
0xe2: {  	v13 =	vpop (erf)  }
0xe3: {  	v14 =	vsub.f32 $0.0e+00, v14;
	v15 =	vpop (erf)  }
0xe4: {  	v15 =	vadd.f32 $1.000000000e+00, v15  }
0xe5: {  	v14 =	vmul.f32 $1.442695020e+00, v14  }
0xe6: {  	(erf) = vrcp.f32 v15  }
0xe7: {  	(erf) = vpow2.f32 v14  }
0xe8: {  	v49 =	vld [tilespmem:$0x500]  }
0xe9: {  	v50 =	vld [tilespmem:$0x700];
	_ =	sdelay $0x4  }
0xea: {  	v15 =	vmul.f32 v50, v49  }
0xeb: {  	v14 =	vpop (erf)  }
0xec: {  	v15 =	vsub.f32 $0.0e+00, v15;
	v16 =	vpop (erf)  }
0xed: {  	v16 =	vadd.f32 $1.000000000e+00, v16  }
0xee: {  	v15 =	vmul.f32 $1.442695020e+00, v15  }
0xef: {  	(erf) = vrcp.f32 v16  }
0xf0: {  	(erf) = vpow2.f32 v15  }
0xf1: {  	v51 =	vld [tilespmem:$0x510]  }
0xf2: {  	v52 =	vld [tilespmem:$0x710];
	_ =	sdelay $0x4  }
0xf3: {  	v16 =	vmul.f32 v52, v51  }
0xf4: {  	v15 =	vpop (erf)  }
0xf5: {  	v16 =	vsub.f32 $0.0e+00, v16;
	v17 =	vpop (erf)  }
0xf6: {  	v17 =	vadd.f32 $1.000000000e+00, v17  }
0xf7: {  	v16 =	vmul.f32 $1.442695020e+00, v16  }
0xf8: {  	(erf) = vrcp.f32 v17  }
0xf9: {  	(erf) = vpow2.f32 v16  }
0xfa: {  	v53 =	vld [tilespmem:$0x520]  }
0xfb: {  	v54 =	vld [tilespmem:$0x720];
	_ =	sdelay $0x4  }
0xfc: {  	v17 =	vmul.f32 v54, v53  }
0xfd: {  	v16 =	vpop (erf)  }
0xfe: {  	v17 =	vsub.f32 $0.0e+00, v17;
	v18 =	vpop (erf)  }
0xff: {  	v18 =	vadd.f32 $1.000000000e+00, v18  }
0x100: {  	v17 =	vmul.f32 $1.442695020e+00, v17  }
0x101: {  	(erf) = vrcp.f32 v18  }
0x102: {  	(erf) = vpow2.f32 v17  }
0x103: {  	v55 =	vld [tilespmem:$0x530]  }
0x104: {  	v56 =	vld [tilespmem:$0x730];
	_ =	sdelay $0x4  }
0x105: {  	v18 =	vmul.f32 v56, v55  }
0x106: {  	v17 =	vpop (erf)  }
0x107: {  	v18 =	vsub.f32 $0.0e+00, v18;
	v19 =	vpop (erf)  }
0x108: {  	v19 =	vadd.f32 $1.000000000e+00, v19  }
0x109: {  	v18 =	vmul.f32 $1.442695020e+00, v18  }
0x10a: {  	(erf) = vrcp.f32 v19  }
0x10b: {  	(erf) = vpow2.f32 v18  }
0x10c: {  	v57 =	vld [tilespmem:$0x540]  }
0x10d: {  	v58 =	vld [tilespmem:$0x740];
	_ =	sdelay $0x4  }
0x10e: {  	v19 =	vmul.f32 v58, v57  }
0x10f: {  	v18 =	vpop (erf)  }
0x110: {  	v19 =	vsub.f32 $0.0e+00, v19;
	v20 =	vpop (erf)  }
0x111: {  	v20 =	vadd.f32 $1.000000000e+00, v20  }
0x112: {  	v19 =	vmul.f32 $1.442695020e+00, v19  }
0x113: {  	(erf) = vrcp.f32 v20  }
0x114: {  	(erf) = vpow2.f32 v19  }
0x115: {  	v59 =	vld [tilespmem:$0x550]  }
0x116: {  	v60 =	vld [tilespmem:$0x750];
	_ =	sdelay $0x4  }
0x117: {  	v19 =	vmul.f32 v60, v59  }
0x118: {  	v20 =	vpop (erf)  }
0x119: {  	v19 =	vsub.f32 $0.0e+00, v19;
	v21 =	vpop (erf)  }
0x11a: {  	v21 =	vadd.f32 $1.000000000e+00, v21  }
0x11b: {  	v19 =	vmul.f32 $1.442695020e+00, v19  }
0x11c: {  	(erf) = vrcp.f32 v21  }
0x11d: {  	(erf) = vpow2.f32 v19  }
0x11e: {  	v61 =	vld [tilespmem:$0x560]  }
0x11f: {  	v62 =	vld [tilespmem:$0x760];
	_ =	sdelay $0x4  }
0x120: {  	v19 =	vmul.f32 v62, v61  }
0x121: {  	v63 =	vpop (erf)  }
0x122: {  	v19 =	vsub.f32 $0.0e+00, v19;
	v22 =	vpop (erf)  }
0x123: {  	v22 =	vadd.f32 $1.000000000e+00, v22  }
0x124: {  	v19 =	vmul.f32 $1.442695020e+00, v19  }
0x125: {  	(erf) = vrcp.f32 v22  }
0x126: {  	(erf) = vpow2.f32 v19  }
0x127: {  	v32 =	vld [tilespmem:$0x570]  }
0x128: {  	v33 =	vld [tilespmem:$0x770];
	_ =	sdelay $0x4  }
0x129: {  	v19 =	vmul.f32 v33, v32  }
0x12a: {  	v34 =	vpop (erf)  }
0x12b: {  	v19 =	vsub.f32 $0.0e+00, v19;
	v23 =	vpop (erf)  }
0x12c: {  	v23 =	vadd.f32 $1.000000000e+00, v23  }
0x12d: {  	v19 =	vmul.f32 $1.442695020e+00, v19  }
0x12e: {  	(erf) = vrcp.f32 v23  }
0x12f: {  	(erf) = vpow2.f32 v19  }
0x130: {  	v35 =	vld [tilespmem:$0x580]  }
0x131: {  	v36 =	vld [tilespmem:$0x780];
	_ =	sdelay $0x4  }
0x132: {  	v19 =	vmul.f32 v36, v35  }
0x133: {  	v37 =	vpop (erf)  }
0x134: {  	v19 =	vsub.f32 $0.0e+00, v19;
	v24 =	vpop (erf)  }
0x135: {  	v24 =	vadd.f32 $1.000000000e+00, v24  }
0x136: {  	v19 =	vmul.f32 $1.442695020e+00, v19  }
0x137: {  	(erf) = vrcp.f32 v24  }
0x138: {  	(erf) = vpow2.f32 v19  }
0x139: {  	v38 =	vld [tilespmem:$0x590]  }
0x13a: {  	v39 =	vld [tilespmem:$0x790];
	_ =	sdelay $0x4  }
0x13b: {  	v19 =	vmul.f32 v39, v38  }
0x13c: {  	v40 =	vpop (erf)  }
0x13d: {  	v19 =	vsub.f32 $0.0e+00, v19;
	v25 =	vpop (erf)  }
0x13e: {  	v25 =	vadd.f32 $1.000000000e+00, v25  }
0x13f: {  	v19 =	vmul.f32 $1.442695020e+00, v19  }
0x140: {  	(erf) = vrcp.f32 v25  }
0x141: {  	(erf) = vpow2.f32 v19  }
0x142: {  	v41 =	vld [tilespmem:$0x5A0]  }
0x143: {  	v42 =	vld [tilespmem:$0x7A0];
	_ =	sdelay $0x4  }
0x144: {  	v19 =	vmul.f32 v42, v41  }
0x145: {  	v43 =	vpop (erf)  }
0x146: {  	v19 =	vsub.f32 $0.0e+00, v19;
	v26 =	vpop (erf)  }
0x147: {  	v26 =	vadd.f32 $1.000000000e+00, v26  }
0x148: {  	v19 =	vmul.f32 $1.442695020e+00, v19  }
0x149: {  	(erf) = vrcp.f32 v26  }
0x14a: {  	(erf) = vpow2.f32 v19  }
0x14b: {  	v44 =	vld [tilespmem:$0x5B0]  }
0x14c: {  	v45 =	vld [tilespmem:$0x7B0];
	_ =	sdelay $0x4  }
0x14d: {  	v19 =	vmul.f32 v45, v44  }
0x14e: {  	v46 =	vpop (erf)  }
0x14f: {  	v19 =	vsub.f32 $0.0e+00, v19;
	v27 =	vpop (erf)  }
0x150: {  	v27 =	vadd.f32 $1.000000000e+00, v27  }
0x151: {  	v19 =	vmul.f32 $1.442695020e+00, v19  }
0x152: {  	(erf) = vrcp.f32 v27  }
0x153: {  	(erf) = vpow2.f32 v19  }
0x154: {  	v47 =	vld [tilespmem:$0x5C0]  }
0x155: {  	v48 =	vld [tilespmem:$0x7C0];
	_ =	sdelay $0x4  }
0x156: {  	v19 =	vmul.f32 v48, v47  }
0x157: {  	v49 =	vpop (erf)  }
0x158: {  	v19 =	vsub.f32 $0.0e+00, v19;
	v28 =	vpop (erf)  }
0x159: {  	v28 =	vadd.f32 $1.000000000e+00, v28  }
0x15a: {  	v19 =	vmul.f32 $1.442695020e+00, v19  }
0x15b: {  	(erf) = vrcp.f32 v28  }
0x15c: {  	(erf) = vpow2.f32 v19  }
0x15d: {  	v50 =	vld [tilespmem:$0x5D0]  }
0x15e: {  	v51 =	vld [tilespmem:$0x7D0];
	_ =	sdelay $0x4  }
0x15f: {  	v19 =	vmul.f32 v51, v50  }
0x160: {  	v52 =	vpop (erf)  }
0x161: {  	v19 =	vsub.f32 $0.0e+00, v19;
	v29 =	vpop (erf)  }
0x162: {  	v29 =	vadd.f32 $1.000000000e+00, v29  }
0x163: {  	v19 =	vmul.f32 $1.442695020e+00, v19  }
0x164: {  	(erf) = vrcp.f32 v29  }
0x165: {  	(erf) = vpow2.f32 v19  }
0x166: {  	v53 =	vld [tilespmem:$0x5E0]  }
0x167: {  	v54 =	vld [tilespmem:$0x7E0];
	_ =	sdelay $0x4  }
0x168: {  	v19 =	vmul.f32 v54, v53  }
0x169: {  	v55 =	vpop (erf)  }
0x16a: {  	v19 =	vsub.f32 $0.0e+00, v19;
	v30 =	vpop (erf)  }
0x16b: {  	v30 =	vadd.f32 $1.000000000e+00, v30  }
0x16c: {  	v19 =	vmul.f32 $1.442695020e+00, v19  }
0x16d: {  	(erf) = vrcp.f32 v30  }
0x16e: {  	(erf) = vpow2.f32 v19  }
0x16f: {  	v56 =	vld [tilespmem:$0x5F0]  }
0x170: {  	v57 =	vld [tilespmem:$0x7F0];
	_ =	sdelay $0x1  }
0x171: {  	[tilespmem:$0x800] =	vst v0  }
0x172: {  	[tilespmem:$0x810] =	vst v1  }
0x173: {  	[tilespmem:$0x820] =	vst v2  }
0x174: {  	[tilespmem:$0x830] =	vst v3;
	v58 =	vmul.f32 v57, v56  }
0x175: {  	[tilespmem:$0x840] =	vst v4;
	v59 =	vpop (erf)  }
0x176: {  	[tilespmem:$0x850] =	vst v5;
	v0 =	vsub.f32 $0.0e+00, v58;
	v60 =	vpop (erf)  }
0x177: {  	[tilespmem:$0x860] =	vst v6;
	v2 =	vadd.f32 $1.000000000e+00, v60  }
0x178: {  	[tilespmem:$0x870] =	vst v7;
	v0 =	vmul.f32 $1.442695020e+00, v0  }
0x179: {  	[tilespmem:$0x880] =	vst v8;
	(erf) = vrcp.f32 v2  }
0x17a: {  	[tilespmem:$0x890] =	vst v9;
	(erf) = vpow2.f32 v0  }
0x17b: {  	[tilespmem:$0x8A0] =	vst v10  }
0x17c: {  	[tilespmem:$0x8B0] =	vst v11  }
0x17d: {  	[tilespmem:$0x8C0] =	vst v12  }
0x17e: {  	[tilespmem:$0x8D0] =	vst v13  }
0x17f: {  	[tilespmem:$0x8E0] =	vst v14  }
0x180: {  	[tilespmem:$0x8F0] =	vst v15  }
0x181: {  	[tilespmem:$0x900] =	vst v16  }
0x182: {  	[tilespmem:$0x910] =	vst v17;
	v61 =	vpop (erf)  }
0x183: {  	[tilespmem:$0x920] =	vst v18;
	v62 =	vpop (erf)  }
0x184: {  	[tilespmem:$0x930] =	vst v20;
	v2 =	vadd.f32 $1.000000000e+00, v62  }
0x185: {  	[tilespmem:$0x940] =	vst v63  }
0x186: {  	[tilespmem:$0x950] =	vst v34;
	(erf) = vrcp.f32 v2  }
0x187: {  	[tilespmem:$0x960] =	vst v37  }
0x188: {  	[tilespmem:$0x970] =	vst v40  }
0x189: {  	[tilespmem:$0x980] =	vst v43  }
0x18a: {  	[tilespmem:$0x990] =	vst v46  }
0x18b: {  	[tilespmem:$0x9A0] =	vst v49  }
0x18c: {  	[tilespmem:$0x9B0] =	vst v52  }
0x18d: {  	[tilespmem:$0x9C0] =	vst v55  }
0x18e: {  	[tilespmem:$0x9D0] =	vst v59  }
0x18f: {  	p0 =	sne.s32 s13, $0x1;
	[tilespmem:$0x9E0] =	vst v61;
	v63 =	vpop (erf)  }
.Ltmp0:
0x190: {  	[tilespmem:$0x9F0] =	vst v63;
	(pc) =	sbr.rel @p0 .LBB2_1-.Ltmp0, $4  }
0x191: {  	[hbm4b:s12+s1] =	stream.linear.scatter [tilespmem:s0], [sflag:$0x2], $0x200, $0x38;
	[tilespmem:$0xA00] =	vst v63  }
0x192: {  	_ =	swait.ge [sflag:s14], $0x200  }
0x193: {  	[sflag:s14] =	ssyncset.done $0x0  }
0x194: {  	s13 =	sadd.s32 $0xFFFFFFFF, s13;
	[sflag:s14] =	ssyncadd.s32 $0xFFFFFE00  }
0x195: {  	_ =	sfence.sel $0x180000  }
0x196: {  	[bflag:$0x0] =	sbarrier.arrive $0xFFFF  }
0x197: {  	_ =	strace $0x90000047  }
0x198: {  	s0 =	stileid.u32;
	[bflag:$0x2] =	sbarrier.arrive $0xFFFF  }
0x199: {  	p0 =	sne.s32 s0, $0x0;
	s0 =	rddreg [dreg:$0x4]  }
0x19a: {  	s0 =	sadd.s32 @!p0 $0x100000, s0  }
0x19b: {  	[sflag:s0] =	ssyncadd.tile.s32 @!p0 $0x1;
	_ =	shalt  }
.Lfunc_end2:
_tile_overlayer_lowered:
.L_overlay_start_2:
0x19c: {  	(tag) =	ssettag $0x2  }
0x19d: {  	s0 =	rddreg [dreg:$0x0];
	s2 =	stileid.u32  }
0x19e: {  	s1 =	rddreg [dreg:$0x1];
	p0 =	sne.s32 s2, $0x0  }
0x19f: {  	s3 =	rddreg [dreg:$0x2];
	[bflag:$0x3] =	sbarrier.arrive $0xFFFF;
	s2 =	simm.s32 @!p0 $0x1C02  }
0x1a0: {  	[timem:s3], [sflag:s2] =	dma.local @!p0 [hbm:s0], s1  }
0x1a1: {  	s0 =	simm.s32 @!p0 $0x2  }
0x1a2: {  	_ =	swait.ge @!p0 [sflag:s0], s1  }
0x1a3: {  	s1 =	ssub.s32 @!p0 $0x0, s1;
	[sflag:s0] =	ssyncset.done @!p0 $0x0  }
0x1a4: {  	[sflag:s0] =	ssyncadd.s32 @!p0 s1  }
0x1a5: {  	[bflag:$0x3] =	sbarrier.arrive $0xFFFF  }
0x1a6: {  	_ =	shalt  }

</sc_bundles>
